<compile_context>
chip_gen: v7x
topology: tpu7x:2x2x1
jax: 0.10.2.dev20260603
libtpu: 0.0.44.dev20260713+nightly
codegen_flags: <defaults>
</compile_context>

<pallas_src>
import functools

import jax
import jax.numpy as jnp
from jax import lax
from jax.experimental import pallas as pl
from jax.experimental.pallas import tpu as pltpu
from jax.experimental.pallas import tpu_sc as plsc

B, D, K = 8192, 512, 1024

BM = 1024
NB = B // BM
KB = K // NB

NC, NS = 2, 16
NW = NC * NS
BPW = B // NW
CHUNK = 32
NCH = BPW // CHUNK
NBUF = 6


def _argmax_body(x_ref, we_ref, be_ref, wd_ref, bd_ref, idx_ref, tab_ref):
    logits = jnp.dot(x_ref[...], we_ref[...],
                     preferred_element_type=jnp.float32)
    logits = logits + be_ref[...]
    idx = jnp.argmax(logits, axis=1).astype(jnp.int32)
    idx_ref[...] = idx.reshape(idx_ref.shape)
    tab_ref[...] = wd_ref[...] + bd_ref[...]


_argmax_call = pl.pallas_call(
    _argmax_body,
    grid=(NB,),
    in_specs=[
        pl.BlockSpec((BM, D), lambda i: (i, 0)),
        pl.BlockSpec((D, K), lambda i: (0, 0)),
        pl.BlockSpec((1, K), lambda i: (0, 0)),
        pl.BlockSpec((KB, D), lambda i: (i, 0)),
        pl.BlockSpec((1, D), lambda i: (0, 0)),
    ],
    out_specs=[
        pl.BlockSpec((1, 1, BM), lambda i: (i, 0, 0)),
        pl.BlockSpec((KB, D), lambda i: (i, 0)),
    ],
    out_shape=[
        jax.ShapeDtypeStruct((NB, 1, BM), jnp.int32),
        jax.ShapeDtypeStruct((K, D), jnp.float32),
    ],
)


@functools.cache
def _sc_gather_call():
    @functools.partial(
        pl.kernel,
        out_type=jax.ShapeDtypeStruct((B, D), jnp.float32),
        mesh=plsc.VectorSubcoreMesh(core_axis_name="c", subcore_axis_name="s",
                                    num_cores=NC, num_subcores=NS),
        scratch_types=(
            [pltpu.VMEM((BPW,), jnp.int32)]
            + [pltpu.VMEM((CHUNK, D), jnp.float32) for _ in range(NBUF)]
            + [pltpu.SemaphoreType.DMA for _ in range(2 * NBUF)]
        ),
    )
    def _sc_gather(tab_hbm, idx_hbm, out_hbm, idx_v, *bufs_and_sems):
        rows = bufs_and_sems[:NBUF]
        gsem = bufs_and_sems[NBUF:2 * NBUF]
        wsem = bufs_and_sems[2 * NBUF:]
        wid = lax.axis_index("s") * NC + lax.axis_index("c")
        base = wid * BPW
        pltpu.sync_copy(idx_hbm.at[pl.ds(base, BPW)], idx_v)

        def start_gather(c):
            b = c % NBUF
            return pltpu.async_copy(
                tab_hbm.at[idx_v.at[pl.ds(c * CHUNK, CHUNK)]], rows[b], gsem[b])

        gathers = {c: start_gather(c) for c in range(min(NBUF, NCH))}
        writes = {}
        for c in range(NCH):
            b = c % NBUF
            gathers[c].wait()
            writes[c] = pltpu.async_copy(
                rows[b], out_hbm.at[pl.ds(base + c * CHUNK, CHUNK)], wsem[b])
            nxt = c + NBUF
            if nxt < NCH:
                writes[nxt - NBUF].wait()
                gathers[nxt] = start_gather(nxt)
        for c in range(max(0, NCH - NBUF), NCH):
            writes[c].wait()

    return _sc_gather


def kernel(x, W_enc, b_enc, W_dec, b_dec):
    idx3, tab = _argmax_call(x, W_enc, b_enc.reshape(1, K),
                             W_dec, b_dec.reshape(1, D))
    return _sc_gather_call()(tab, idx3.reshape(B))

# --- scband reference (transcript-rebuilt; emitter-appended) ---
"""Pipeline reference for scband-softmax-net-66185446032099 (READ-ONLY COPY).

The authoritative reference and input builder live on the scoring server;
editing this copy changes nothing except your own understanding.
"""

import jax, jax.numpy as jnp
import numpy as np

B, D, K = 8192, 512, 1024

def setup_inputs(seed: int = 0) -> dict:
    key = jax.random.key(seed)
    k1, k2, k3 = jax.random.split(key, 3)
    x = jax.random.normal(k1, (B, D), dtype=jnp.float32)
    W_enc = jax.random.normal(k2, (D, K), dtype=jnp.float32) * 0.02
    b_enc = jnp.zeros((K,), dtype=jnp.float32)
    W_dec = jax.random.normal(k3, (K, D), dtype=jnp.float32) * 0.02
    b_dec = jnp.zeros((D,), dtype=jnp.float32)
    return {"x": x, "W_enc": W_enc, "b_enc": b_enc, "W_dec": W_dec, "b_dec": b_dec}

def reference(x, W_enc, b_enc, W_dec, b_dec):
    # encoder_disc: Linear(D, K)
    logits = x @ W_enc + b_enc
    # softmax over dim=1
    z_softmax = jax.nn.softmax(logits, axis=1)
    # STOneHot.forward: zeros scatter 1.0 at argmax along dim=1
    idx = jnp.argmax(z_softmax, axis=1)
    one_hot = jax.nn.one_hot(idx, z_softmax.shape[1], dtype=z_softmax.dtype)
    # straight-through: forward value is the one-hot
    z = z_softmax + jax.lax.stop_gradient(one_hot - z_softmax)
    # decoder: Linear(K, D)
    recon = z @ W_dec + b_dec
    return recon

if __name__ == "__main__":
    import jax
    _d = setup_inputs()
    print(jax.jit(kernel)(*tuple(_d.values())))

</pallas_src>

<mosaic_0001>
#map = affine_map<(d0, d1) -> (0, 0)>
#map1 = affine_map<(d0, d1) -> (0)>
module attributes {stable_mosaic.version = 14 : i64} {
  func.func @_sc_gather(%arg0: i32, %arg1: i32, %arg2: memref<1024x512xf32, #tpu.memory_space<hbm>>, %arg3: memref<8192xi32, #tpu.memory_space<hbm>>, %arg4: memref<8192x512xf32, #tpu.memory_space<hbm>>, %arg5: memref<256xi32, #tpu.memory_space<vmem>>, %arg6: memref<32x512xf32, #tpu.memory_space<vmem>>, %arg7: memref<32x512xf32, #tpu.memory_space<vmem>>, %arg8: memref<32x512xf32, #tpu.memory_space<vmem>>, %arg9: memref<32x512xf32, #tpu.memory_space<vmem>>, %arg10: memref<32x512xf32, #tpu.memory_space<vmem>>, %arg11: memref<32x512xf32, #tpu.memory_space<vmem>>, %arg12: memref<!tpu.dma_semaphore, #tpu.memory_space<semaphore_mem>>, %arg13: memref<!tpu.dma_semaphore, #tpu.memory_space<semaphore_mem>>, %arg14: memref<!tpu.dma_semaphore, #tpu.memory_space<semaphore_mem>>, %arg15: memref<!tpu.dma_semaphore, #tpu.memory_space<semaphore_mem>>, %arg16: memref<!tpu.dma_semaphore, #tpu.memory_space<semaphore_mem>>, %arg17: memref<!tpu.dma_semaphore, #tpu.memory_space<semaphore_mem>>, %arg18: memref<!tpu.dma_semaphore, #tpu.memory_space<semaphore_mem>>, %arg19: memref<!tpu.dma_semaphore, #tpu.memory_space<semaphore_mem>>, %arg20: memref<!tpu.dma_semaphore, #tpu.memory_space<semaphore_mem>>, %arg21: memref<!tpu.dma_semaphore, #tpu.memory_space<semaphore_mem>>, %arg22: memref<!tpu.dma_semaphore, #tpu.memory_space<semaphore_mem>>, %arg23: memref<!tpu.dma_semaphore, #tpu.memory_space<semaphore_mem>>) attributes {dimension_semantics = [#tpu.dimension_semantics<core_parallel>, #tpu.dimension_semantics<subcore_parallel>], iteration_bounds = array<i64: 2, 16>, scalar_prefetch = 0 : i64, scratch_operands = 19 : i64, tpu.core_type = #tpu.core_type<sc_vector_subcore>, window_params = [{transform_indices = #map}, {transform_indices = #map1}, {transform_indices = #map}]} {
    %mul3A = arith.constant 2 : i32
    %mul3A_0 = arith.muli %arg1, %mul3A : i32
    %add3A = arith.addi %mul3A_0, %arg0 : i32
    %mul3A_1 = arith.constant 256 : i32
    %mul3A_2 = arith.muli %add3A, %mul3A_1 : i32
    "tpu.region"() ({
      %run_scoped3A = tpu.sem_alloc : memref<!tpu.dma_semaphore, #tpu.memory_space<semaphore_mem>>
      %dma_start3A_161 = tpu.memref_slice %arg3[%mul3A_2] : memref<8192xi32, #tpu.memory_space<hbm>> -> memref<256xi32, #tpu.memory_space<hbm>>
      %dma_start3A_162 = tpu.memref_slice %arg3[%mul3A_2] : memref<8192xi32, #tpu.memory_space<hbm>> -> memref<256xi32, #tpu.memory_space<hbm>>
      tpu.enqueue_dma source(%dma_start3A_162 : memref<256xi32, #tpu.memory_space<hbm>>) target(%arg5 : memref<256xi32, #tpu.memory_space<vmem>>) target_semaphore(%run_scoped3A : memref<!tpu.dma_semaphore, #tpu.memory_space<semaphore_mem>>)
      %dma_wait3A_163 = tpu.memref_slice %arg3[%mul3A_2] : memref<8192xi32, #tpu.memory_space<hbm>> -> memref<256xi32, #tpu.memory_space<hbm>>
      %dma_wait3A_164 = tpu.memref_slice %arg3[%mul3A_2] : memref<8192xi32, #tpu.memory_space<hbm>> -> memref<256xi32, #tpu.memory_space<hbm>>
      tpu.wait_dma2 semaphore(%run_scoped3A : memref<!tpu.dma_semaphore, #tpu.memory_space<semaphore_mem>>) src(%dma_wait3A_164 : memref<256xi32, #tpu.memory_space<hbm>>) dst(%arg5 : memref<256xi32, #tpu.memory_space<vmem>>)
      tpu.yield
    }) : () -> ()
    %dma_start3A = arith.constant 0 : i32
    %dma_start3A_3 = tpu.memref_slice %arg5[%dma_start3A] : memref<256xi32, #tpu.memory_space<vmem>> -> memref<32xi32, #tpu.memory_space<vmem>>
    %dma_start3A_4 = arith.constant 0 : i32
    %dma_start3A_5 = arith.constant 0 : i32
    %dma_start3A_6 = tpu.memref_slice %arg2[%dma_start3A_4, %dma_start3A_5] : memref<1024x512xf32, #tpu.memory_space<hbm>> -> memref<1024x512xf32, #tpu.memory_space<hbm>>
    tpu.enqueue_indirect_dma source(%dma_start3A_6 : memref<1024x512xf32, #tpu.memory_space<hbm>>) target(%arg6 : memref<32x512xf32, #tpu.memory_space<vmem>>) offsets(%dma_start3A_3 : memref<32xi32, #tpu.memory_space<vmem>>) semaphore(%arg12 : memref<!tpu.dma_semaphore, #tpu.memory_space<semaphore_mem>>)
    %dma_start3A_7 = arith.constant 32 : i32
    %dma_start3A_8 = tpu.memref_slice %arg5[%dma_start3A_7] : memref<256xi32, #tpu.memory_space<vmem>> -> memref<32xi32, #tpu.memory_space<vmem>>
    %dma_start3A_9 = arith.constant 0 : i32
    %dma_start3A_10 = arith.constant 0 : i32
    %dma_start3A_11 = tpu.memref_slice %arg2[%dma_start3A_9, %dma_start3A_10] : memref<1024x512xf32, #tpu.memory_space<hbm>> -> memref<1024x512xf32, #tpu.memory_space<hbm>>
    tpu.enqueue_indirect_dma source(%dma_start3A_11 : memref<1024x512xf32, #tpu.memory_space<hbm>>) target(%arg7 : memref<32x512xf32, #tpu.memory_space<vmem>>) offsets(%dma_start3A_8 : memref<32xi32, #tpu.memory_space<vmem>>) semaphore(%arg13 : memref<!tpu.dma_semaphore, #tpu.memory_space<semaphore_mem>>)
    %dma_start3A_12 = arith.constant 64 : i32
    %dma_start3A_13 = tpu.memref_slice %arg5[%dma_start3A_12] : memref<256xi32, #tpu.memory_space<vmem>> -> memref<32xi32, #tpu.memory_space<vmem>>
    %dma_start3A_14 = arith.constant 0 : i32
    %dma_start3A_15 = arith.constant 0 : i32
    %dma_start3A_16 = tpu.memref_slice %arg2[%dma_start3A_14, %dma_start3A_15] : memref<1024x512xf32, #tpu.memory_space<hbm>> -> memref<1024x512xf32, #tpu.memory_space<hbm>>
    tpu.enqueue_indirect_dma source(%dma_start3A_16 : memref<1024x512xf32, #tpu.memory_space<hbm>>) target(%arg8 : memref<32x512xf32, #tpu.memory_space<vmem>>) offsets(%dma_start3A_13 : memref<32xi32, #tpu.memory_space<vmem>>) semaphore(%arg14 : memref<!tpu.dma_semaphore, #tpu.memory_space<semaphore_mem>>)
    %dma_start3A_17 = arith.constant 96 : i32
    %dma_start3A_18 = tpu.memref_slice %arg5[%dma_start3A_17] : memref<256xi32, #tpu.memory_space<vmem>> -> memref<32xi32, #tpu.memory_space<vmem>>
    %dma_start3A_19 = arith.constant 0 : i32
    %dma_start3A_20 = arith.constant 0 : i32
    %dma_start3A_21 = tpu.memref_slice %arg2[%dma_start3A_19, %dma_start3A_20] : memref<1024x512xf32, #tpu.memory_space<hbm>> -> memref<1024x512xf32, #tpu.memory_space<hbm>>
    tpu.enqueue_indirect_dma source(%dma_start3A_21 : memref<1024x512xf32, #tpu.memory_space<hbm>>) target(%arg9 : memref<32x512xf32, #tpu.memory_space<vmem>>) offsets(%dma_start3A_18 : memref<32xi32, #tpu.memory_space<vmem>>) semaphore(%arg15 : memref<!tpu.dma_semaphore, #tpu.memory_space<semaphore_mem>>)
    %dma_start3A_22 = arith.constant 128 : i32
    %dma_start3A_23 = tpu.memref_slice %arg5[%dma_start3A_22] : memref<256xi32, #tpu.memory_space<vmem>> -> memref<32xi32, #tpu.memory_space<vmem>>
    %dma_start3A_24 = arith.constant 0 : i32
    %dma_start3A_25 = arith.constant 0 : i32
    %dma_start3A_26 = tpu.memref_slice %arg2[%dma_start3A_24, %dma_start3A_25] : memref<1024x512xf32, #tpu.memory_space<hbm>> -> memref<1024x512xf32, #tpu.memory_space<hbm>>
    tpu.enqueue_indirect_dma source(%dma_start3A_26 : memref<1024x512xf32, #tpu.memory_space<hbm>>) target(%arg10 : memref<32x512xf32, #tpu.memory_space<vmem>>) offsets(%dma_start3A_23 : memref<32xi32, #tpu.memory_space<vmem>>) semaphore(%arg16 : memref<!tpu.dma_semaphore, #tpu.memory_space<semaphore_mem>>)
    %dma_start3A_27 = arith.constant 160 : i32
    %dma_start3A_28 = tpu.memref_slice %arg5[%dma_start3A_27] : memref<256xi32, #tpu.memory_space<vmem>> -> memref<32xi32, #tpu.memory_space<vmem>>
    %dma_start3A_29 = arith.constant 0 : i32
    %dma_start3A_30 = arith.constant 0 : i32
    %dma_start3A_31 = tpu.memref_slice %arg2[%dma_start3A_29, %dma_start3A_30] : memref<1024x512xf32, #tpu.memory_space<hbm>> -> memref<1024x512xf32, #tpu.memory_space<hbm>>
    tpu.enqueue_indirect_dma source(%dma_start3A_31 : memref<1024x512xf32, #tpu.memory_space<hbm>>) target(%arg11 : memref<32x512xf32, #tpu.memory_space<vmem>>) offsets(%dma_start3A_28 : memref<32xi32, #tpu.memory_space<vmem>>) semaphore(%arg17 : memref<!tpu.dma_semaphore, #tpu.memory_space<semaphore_mem>>)
    %dma_wait3A = arith.constant 0 : i32
    %dma_wait3A_32 = tpu.memref_slice %arg5[%dma_wait3A] : memref<256xi32, #tpu.memory_space<vmem>> -> memref<32xi32, #tpu.memory_space<vmem>>
    %dma_wait3A_33 = arith.constant 0 : i32
    %dma_wait3A_34 = arith.constant 0 : i32
    %dma_wait3A_35 = tpu.memref_slice %arg2[%dma_wait3A_33, %dma_wait3A_34] : memref<1024x512xf32, #tpu.memory_space<hbm>> -> memref<1024x512xf32, #tpu.memory_space<hbm>>
    tpu.wait_indirect_dma semaphore(%arg12 : memref<!tpu.dma_semaphore, #tpu.memory_space<semaphore_mem>>) src(%dma_wait3A_35 : memref<1024x512xf32, #tpu.memory_space<hbm>>) dst(%arg6 : memref<32x512xf32, #tpu.memory_space<vmem>>)
    %add3A_36 = arith.constant 0 : i32
    %add3A_37 = arith.addi %mul3A_2, %add3A_36 : i32
    %dma_start3A_38 = arith.constant 0 : i32
    %dma_start3A_39 = tpu.memref_slice %arg4[%add3A_37, %dma_start3A_38] : memref<8192x512xf32, #tpu.memory_space<hbm>> -> memref<32x512xf32, #tpu.memory_space<hbm>>
    %dma_start3A_40 = arith.constant 0 : i32
    %dma_start3A_41 = tpu.memref_slice %arg4[%add3A_37, %dma_start3A_40] : memref<8192x512xf32, #tpu.memory_space<hbm>> -> memref<32x512xf32, #tpu.memory_space<hbm>>
    tpu.enqueue_dma source(%arg6 : memref<32x512xf32, #tpu.memory_space<vmem>>) target(%dma_start3A_41 : memref<32x512xf32, #tpu.memory_space<hbm>>) target_semaphore(%arg18 : memref<!tpu.dma_semaphore, #tpu.memory_space<semaphore_mem>>)
    %dma_wait3A_42 = arith.constant 0 : i32
    %dma_wait3A_43 = tpu.memref_slice %arg4[%add3A_37, %dma_wait3A_42] : memref<8192x512xf32, #tpu.memory_space<hbm>> -> memref<32x512xf32, #tpu.memory_space<hbm>>
    %dma_wait3A_44 = arith.constant 0 : i32
    %dma_wait3A_45 = tpu.memref_slice %arg4[%add3A_37, %dma_wait3A_44] : memref<8192x512xf32, #tpu.memory_space<hbm>> -> memref<32x512xf32, #tpu.memory_space<hbm>>
    tpu.wait_dma2 semaphore(%arg18 : memref<!tpu.dma_semaphore, #tpu.memory_space<semaphore_mem>>) src(%arg6 : memref<32x512xf32, #tpu.memory_space<vmem>>) dst(%dma_wait3A_45 : memref<32x512xf32, #tpu.memory_space<hbm>>)
    %dma_start3A_46 = arith.constant 192 : i32
    %dma_start3A_47 = tpu.memref_slice %arg5[%dma_start3A_46] : memref<256xi32, #tpu.memory_space<vmem>> -> memref<32xi32, #tpu.memory_space<vmem>>
    %dma_start3A_48 = arith.constant 0 : i32
    %dma_start3A_49 = arith.constant 0 : i32
    %dma_start3A_50 = tpu.memref_slice %arg2[%dma_start3A_48, %dma_start3A_49] : memref<1024x512xf32, #tpu.memory_space<hbm>> -> memref<1024x512xf32, #tpu.memory_space<hbm>>
    tpu.enqueue_indirect_dma source(%dma_start3A_50 : memref<1024x512xf32, #tpu.memory_space<hbm>>) target(%arg6 : memref<32x512xf32, #tpu.memory_space<vmem>>) offsets(%dma_start3A_47 : memref<32xi32, #tpu.memory_space<vmem>>) semaphore(%arg12 : memref<!tpu.dma_semaphore, #tpu.memory_space<semaphore_mem>>)
    %dma_wait3A_51 = arith.constant 32 : i32
    %dma_wait3A_52 = tpu.memref_slice %arg5[%dma_wait3A_51] : memref<256xi32, #tpu.memory_space<vmem>> -> memref<32xi32, #tpu.memory_space<vmem>>
    %dma_wait3A_53 = arith.constant 0 : i32
    %dma_wait3A_54 = arith.constant 0 : i32
    %dma_wait3A_55 = tpu.memref_slice %arg2[%dma_wait3A_53, %dma_wait3A_54] : memref<1024x512xf32, #tpu.memory_space<hbm>> -> memref<1024x512xf32, #tpu.memory_space<hbm>>
    tpu.wait_indirect_dma semaphore(%arg13 : memref<!tpu.dma_semaphore, #tpu.memory_space<semaphore_mem>>) src(%dma_wait3A_55 : memref<1024x512xf32, #tpu.memory_space<hbm>>) dst(%arg7 : memref<32x512xf32, #tpu.memory_space<vmem>>)
    %add3A_56 = arith.constant 32 : i32
    %add3A_57 = arith.addi %mul3A_2, %add3A_56 : i32
    %dma_start3A_58 = arith.constant 0 : i32
    %dma_start3A_59 = tpu.memref_slice %arg4[%add3A_57, %dma_start3A_58] : memref<8192x512xf32, #tpu.memory_space<hbm>> -> memref<32x512xf32, #tpu.memory_space<hbm>>
    %dma_start3A_60 = arith.constant 0 : i32
    %dma_start3A_61 = tpu.memref_slice %arg4[%add3A_57, %dma_start3A_60] : memref<8192x512xf32, #tpu.memory_space<hbm>> -> memref<32x512xf32, #tpu.memory_space<hbm>>
    tpu.enqueue_dma source(%arg7 : memref<32x512xf32, #tpu.memory_space<vmem>>) target(%dma_start3A_61 : memref<32x512xf32, #tpu.memory_space<hbm>>) target_semaphore(%arg19 : memref<!tpu.dma_semaphore, #tpu.memory_space<semaphore_mem>>)
    %dma_wait3A_62 = arith.constant 0 : i32
    %dma_wait3A_63 = tpu.memref_slice %arg4[%add3A_57, %dma_wait3A_62] : memref<8192x512xf32, #tpu.memory_space<hbm>> -> memref<32x512xf32, #tpu.memory_space<hbm>>
    %dma_wait3A_64 = arith.constant 0 : i32
    %dma_wait3A_65 = tpu.memref_slice %arg4[%add3A_57, %dma_wait3A_64] : memref<8192x512xf32, #tpu.memory_space<hbm>> -> memref<32x512xf32, #tpu.memory_space<hbm>>
    tpu.wait_dma2 semaphore(%arg19 : memref<!tpu.dma_semaphore, #tpu.memory_space<semaphore_mem>>) src(%arg7 : memref<32x512xf32, #tpu.memory_space<vmem>>) dst(%dma_wait3A_65 : memref<32x512xf32, #tpu.memory_space<hbm>>)
    %dma_start3A_66 = arith.constant 224 : i32
    %dma_start3A_67 = tpu.memref_slice %arg5[%dma_start3A_66] : memref<256xi32, #tpu.memory_space<vmem>> -> memref<32xi32, #tpu.memory_space<vmem>>
    %dma_start3A_68 = arith.constant 0 : i32
    %dma_start3A_69 = arith.constant 0 : i32
    %dma_start3A_70 = tpu.memref_slice %arg2[%dma_start3A_68, %dma_start3A_69] : memref<1024x512xf32, #tpu.memory_space<hbm>> -> memref<1024x512xf32, #tpu.memory_space<hbm>>
    tpu.enqueue_indirect_dma source(%dma_start3A_70 : memref<1024x512xf32, #tpu.memory_space<hbm>>) target(%arg7 : memref<32x512xf32, #tpu.memory_space<vmem>>) offsets(%dma_start3A_67 : memref<32xi32, #tpu.memory_space<vmem>>) semaphore(%arg13 : memref<!tpu.dma_semaphore, #tpu.memory_space<semaphore_mem>>)
    %dma_wait3A_71 = arith.constant 64 : i32
    %dma_wait3A_72 = tpu.memref_slice %arg5[%dma_wait3A_71] : memref<256xi32, #tpu.memory_space<vmem>> -> memref<32xi32, #tpu.memory_space<vmem>>
    %dma_wait3A_73 = arith.constant 0 : i32
    %dma_wait3A_74 = arith.constant 0 : i32
    %dma_wait3A_75 = tpu.memref_slice %arg2[%dma_wait3A_73, %dma_wait3A_74] : memref<1024x512xf32, #tpu.memory_space<hbm>> -> memref<1024x512xf32, #tpu.memory_space<hbm>>
    tpu.wait_indirect_dma semaphore(%arg14 : memref<!tpu.dma_semaphore, #tpu.memory_space<semaphore_mem>>) src(%dma_wait3A_75 : memref<1024x512xf32, #tpu.memory_space<hbm>>) dst(%arg8 : memref<32x512xf32, #tpu.memory_space<vmem>>)
    %add3A_76 = arith.constant 64 : i32
    %add3A_77 = arith.addi %mul3A_2, %add3A_76 : i32
    %dma_start3A_78 = arith.constant 0 : i32
    %dma_start3A_79 = tpu.memref_slice %arg4[%add3A_77, %dma_start3A_78] : memref<8192x512xf32, #tpu.memory_space<hbm>> -> memref<32x512xf32, #tpu.memory_space<hbm>>
    %dma_start3A_80 = arith.constant 0 : i32
    %dma_start3A_81 = tpu.memref_slice %arg4[%add3A_77, %dma_start3A_80] : memref<8192x512xf32, #tpu.memory_space<hbm>> -> memref<32x512xf32, #tpu.memory_space<hbm>>
    tpu.enqueue_dma source(%arg8 : memref<32x512xf32, #tpu.memory_space<vmem>>) target(%dma_start3A_81 : memref<32x512xf32, #tpu.memory_space<hbm>>) target_semaphore(%arg20 : memref<!tpu.dma_semaphore, #tpu.memory_space<semaphore_mem>>)
    %dma_wait3A_82 = arith.constant 96 : i32
    %dma_wait3A_83 = tpu.memref_slice %arg5[%dma_wait3A_82] : memref<256xi32, #tpu.memory_space<vmem>> -> memref<32xi32, #tpu.memory_space<vmem>>
    %dma_wait3A_84 = arith.constant 0 : i32
    %dma_wait3A_85 = arith.constant 0 : i32
    %dma_wait3A_86 = tpu.memref_slice %arg2[%dma_wait3A_84, %dma_wait3A_85] : memref<1024x512xf32, #tpu.memory_space<hbm>> -> memref<1024x512xf32, #tpu.memory_space<hbm>>
    tpu.wait_indirect_dma semaphore(%arg15 : memref<!tpu.dma_semaphore, #tpu.memory_space<semaphore_mem>>) src(%dma_wait3A_86 : memref<1024x512xf32, #tpu.memory_space<hbm>>) dst(%arg9 : memref<32x512xf32, #tpu.memory_space<vmem>>)
    %add3A_87 = arith.constant 96 : i32
    %add3A_88 = arith.addi %mul3A_2, %add3A_87 : i32
    %dma_start3A_89 = arith.constant 0 : i32
    %dma_start3A_90 = tpu.memref_slice %arg4[%add3A_88, %dma_start3A_89] : memref<8192x512xf32, #tpu.memory_space<hbm>> -> memref<32x512xf32, #tpu.memory_space<hbm>>
    %dma_start3A_91 = arith.constant 0 : i32
    %dma_start3A_92 = tpu.memref_slice %arg4[%add3A_88, %dma_start3A_91] : memref<8192x512xf32, #tpu.memory_space<hbm>> -> memref<32x512xf32, #tpu.memory_space<hbm>>
    tpu.enqueue_dma source(%arg9 : memref<32x512xf32, #tpu.memory_space<vmem>>) target(%dma_start3A_92 : memref<32x512xf32, #tpu.memory_space<hbm>>) target_semaphore(%arg21 : memref<!tpu.dma_semaphore, #tpu.memory_space<semaphore_mem>>)
    %dma_wait3A_93 = arith.constant 128 : i32
    %dma_wait3A_94 = tpu.memref_slice %arg5[%dma_wait3A_93] : memref<256xi32, #tpu.memory_space<vmem>> -> memref<32xi32, #tpu.memory_space<vmem>>
    %dma_wait3A_95 = arith.constant 0 : i32
    %dma_wait3A_96 = arith.constant 0 : i32
    %dma_wait3A_97 = tpu.memref_slice %arg2[%dma_wait3A_95, %dma_wait3A_96] : memref<1024x512xf32, #tpu.memory_space<hbm>> -> memref<1024x512xf32, #tpu.memory_space<hbm>>
    tpu.wait_indirect_dma semaphore(%arg16 : memref<!tpu.dma_semaphore, #tpu.memory_space<semaphore_mem>>) src(%dma_wait3A_97 : memref<1024x512xf32, #tpu.memory_space<hbm>>) dst(%arg10 : memref<32x512xf32, #tpu.memory_space<vmem>>)
    %add3A_98 = arith.constant 128 : i32
    %add3A_99 = arith.addi %mul3A_2, %add3A_98 : i32
    %dma_start3A_100 = arith.constant 0 : i32
    %dma_start3A_101 = tpu.memref_slice %arg4[%add3A_99, %dma_start3A_100] : memref<8192x512xf32, #tpu.memory_space<hbm>> -> memref<32x512xf32, #tpu.memory_space<hbm>>
    %dma_start3A_102 = arith.constant 0 : i32
    %dma_start3A_103 = tpu.memref_slice %arg4[%add3A_99, %dma_start3A_102] : memref<8192x512xf32, #tpu.memory_space<hbm>> -> memref<32x512xf32, #tpu.memory_space<hbm>>
    tpu.enqueue_dma source(%arg10 : memref<32x512xf32, #tpu.memory_space<vmem>>) target(%dma_start3A_103 : memref<32x512xf32, #tpu.memory_space<hbm>>) target_semaphore(%arg22 : memref<!tpu.dma_semaphore, #tpu.memory_space<semaphore_mem>>)
    %dma_wait3A_104 = arith.constant 160 : i32
    %dma_wait3A_105 = tpu.memref_slice %arg5[%dma_wait3A_104] : memref<256xi32, #tpu.memory_space<vmem>> -> memref<32xi32, #tpu.memory_space<vmem>>
    %dma_wait3A_106 = arith.constant 0 : i32
    %dma_wait3A_107 = arith.constant 0 : i32
    %dma_wait3A_108 = tpu.memref_slice %arg2[%dma_wait3A_106, %dma_wait3A_107] : memref<1024x512xf32, #tpu.memory_space<hbm>> -> memref<1024x512xf32, #tpu.memory_space<hbm>>
    tpu.wait_indirect_dma semaphore(%arg17 : memref<!tpu.dma_semaphore, #tpu.memory_space<semaphore_mem>>) src(%dma_wait3A_108 : memref<1024x512xf32, #tpu.memory_space<hbm>>) dst(%arg11 : memref<32x512xf32, #tpu.memory_space<vmem>>)
    %add3A_109 = arith.constant 160 : i32
    %add3A_110 = arith.addi %mul3A_2, %add3A_109 : i32
    %dma_start3A_111 = arith.constant 0 : i32
    %dma_start3A_112 = tpu.memref_slice %arg4[%add3A_110, %dma_start3A_111] : memref<8192x512xf32, #tpu.memory_space<hbm>> -> memref<32x512xf32, #tpu.memory_space<hbm>>
    %dma_start3A_113 = arith.constant 0 : i32
    %dma_start3A_114 = tpu.memref_slice %arg4[%add3A_110, %dma_start3A_113] : memref<8192x512xf32, #tpu.memory_space<hbm>> -> memref<32x512xf32, #tpu.memory_space<hbm>>
    tpu.enqueue_dma source(%arg11 : memref<32x512xf32, #tpu.memory_space<vmem>>) target(%dma_start3A_114 : memref<32x512xf32, #tpu.memory_space<hbm>>) target_semaphore(%arg23 : memref<!tpu.dma_semaphore, #tpu.memory_space<semaphore_mem>>)
    %dma_wait3A_115 = arith.constant 192 : i32
    %dma_wait3A_116 = tpu.memref_slice %arg5[%dma_wait3A_115] : memref<256xi32, #tpu.memory_space<vmem>> -> memref<32xi32, #tpu.memory_space<vmem>>
    %dma_wait3A_117 = arith.constant 0 : i32
    %dma_wait3A_118 = arith.constant 0 : i32
    %dma_wait3A_119 = tpu.memref_slice %arg2[%dma_wait3A_117, %dma_wait3A_118] : memref<1024x512xf32, #tpu.memory_space<hbm>> -> memref<1024x512xf32, #tpu.memory_space<hbm>>
    tpu.wait_indirect_dma semaphore(%arg12 : memref<!tpu.dma_semaphore, #tpu.memory_space<semaphore_mem>>) src(%dma_wait3A_119 : memref<1024x512xf32, #tpu.memory_space<hbm>>) dst(%arg6 : memref<32x512xf32, #tpu.memory_space<vmem>>)
    %add3A_120 = arith.constant 192 : i32
    %add3A_121 = arith.addi %mul3A_2, %add3A_120 : i32
    %dma_start3A_122 = arith.constant 0 : i32
    %dma_start3A_123 = tpu.memref_slice %arg4[%add3A_121, %dma_start3A_122] : memref<8192x512xf32, #tpu.memory_space<hbm>> -> memref<32x512xf32, #tpu.memory_space<hbm>>
    %dma_start3A_124 = arith.constant 0 : i32
    %dma_start3A_125 = tpu.memref_slice %arg4[%add3A_121, %dma_start3A_124] : memref<8192x512xf32, #tpu.memory_space<hbm>> -> memref<32x512xf32, #tpu.memory_space<hbm>>
    tpu.enqueue_dma source(%arg6 : memref<32x512xf32, #tpu.memory_space<vmem>>) target(%dma_start3A_125 : memref<32x512xf32, #tpu.memory_space<hbm>>) target_semaphore(%arg18 : memref<!tpu.dma_semaphore, #tpu.memory_space<semaphore_mem>>)
    %dma_wait3A_126 = arith.constant 224 : i32
    %dma_wait3A_127 = tpu.memref_slice %arg5[%dma_wait3A_126] : memref<256xi32, #tpu.memory_space<vmem>> -> memref<32xi32, #tpu.memory_space<vmem>>
    %dma_wait3A_128 = arith.constant 0 : i32
    %dma_wait3A_129 = arith.constant 0 : i32
    %dma_wait3A_130 = tpu.memref_slice %arg2[%dma_wait3A_128, %dma_wait3A_129] : memref<1024x512xf32, #tpu.memory_space<hbm>> -> memref<1024x512xf32, #tpu.memory_space<hbm>>
    tpu.wait_indirect_dma semaphore(%arg13 : memref<!tpu.dma_semaphore, #tpu.memory_space<semaphore_mem>>) src(%dma_wait3A_130 : memref<1024x512xf32, #tpu.memory_space<hbm>>) dst(%arg7 : memref<32x512xf32, #tpu.memory_space<vmem>>)
    %add3A_131 = arith.constant 224 : i32
    %add3A_132 = arith.addi %mul3A_2, %add3A_131 : i32
    %dma_start3A_133 = arith.constant 0 : i32
    %dma_start3A_134 = tpu.memref_slice %arg4[%add3A_132, %dma_start3A_133] : memref<8192x512xf32, #tpu.memory_space<hbm>> -> memref<32x512xf32, #tpu.memory_space<hbm>>
    %dma_start3A_135 = arith.constant 0 : i32
    %dma_start3A_136 = tpu.memref_slice %arg4[%add3A_132, %dma_start3A_135] : memref<8192x512xf32, #tpu.memory_space<hbm>> -> memref<32x512xf32, #tpu.memory_space<hbm>>
    tpu.enqueue_dma source(%arg7 : memref<32x512xf32, #tpu.memory_space<vmem>>) target(%dma_start3A_136 : memref<32x512xf32, #tpu.memory_space<hbm>>) target_semaphore(%arg19 : memref<!tpu.dma_semaphore, #tpu.memory_space<semaphore_mem>>)
    %dma_wait3A_137 = arith.constant 0 : i32
    %dma_wait3A_138 = tpu.memref_slice %arg4[%add3A_77, %dma_wait3A_137] : memref<8192x512xf32, #tpu.memory_space<hbm>> -> memref<32x512xf32, #tpu.memory_space<hbm>>
    %dma_wait3A_139 = arith.constant 0 : i32
    %dma_wait3A_140 = tpu.memref_slice %arg4[%add3A_77, %dma_wait3A_139] : memref<8192x512xf32, #tpu.memory_space<hbm>> -> memref<32x512xf32, #tpu.memory_space<hbm>>
    tpu.wait_dma2 semaphore(%arg20 : memref<!tpu.dma_semaphore, #tpu.memory_space<semaphore_mem>>) src(%arg8 : memref<32x512xf32, #tpu.memory_space<vmem>>) dst(%dma_wait3A_140 : memref<32x512xf32, #tpu.memory_space<hbm>>)
    %dma_wait3A_141 = arith.constant 0 : i32
    %dma_wait3A_142 = tpu.memref_slice %arg4[%add3A_88, %dma_wait3A_141] : memref<8192x512xf32, #tpu.memory_space<hbm>> -> memref<32x512xf32, #tpu.memory_space<hbm>>
    %dma_wait3A_143 = arith.constant 0 : i32
    %dma_wait3A_144 = tpu.memref_slice %arg4[%add3A_88, %dma_wait3A_143] : memref<8192x512xf32, #tpu.memory_space<hbm>> -> memref<32x512xf32, #tpu.memory_space<hbm>>
    tpu.wait_dma2 semaphore(%arg21 : memref<!tpu.dma_semaphore, #tpu.memory_space<semaphore_mem>>) src(%arg9 : memref<32x512xf32, #tpu.memory_space<vmem>>) dst(%dma_wait3A_144 : memref<32x512xf32, #tpu.memory_space<hbm>>)
    %dma_wait3A_145 = arith.constant 0 : i32
    %dma_wait3A_146 = tpu.memref_slice %arg4[%add3A_99, %dma_wait3A_145] : memref<8192x512xf32, #tpu.memory_space<hbm>> -> memref<32x512xf32, #tpu.memory_space<hbm>>
    %dma_wait3A_147 = arith.constant 0 : i32
    %dma_wait3A_148 = tpu.memref_slice %arg4[%add3A_99, %dma_wait3A_147] : memref<8192x512xf32, #tpu.memory_space<hbm>> -> memref<32x512xf32, #tpu.memory_space<hbm>>
    tpu.wait_dma2 semaphore(%arg22 : memref<!tpu.dma_semaphore, #tpu.memory_space<semaphore_mem>>) src(%arg10 : memref<32x512xf32, #tpu.memory_space<vmem>>) dst(%dma_wait3A_148 : memref<32x512xf32, #tpu.memory_space<hbm>>)
    %dma_wait3A_149 = arith.constant 0 : i32
    %dma_wait3A_150 = tpu.memref_slice %arg4[%add3A_110, %dma_wait3A_149] : memref<8192x512xf32, #tpu.memory_space<hbm>> -> memref<32x512xf32, #tpu.memory_space<hbm>>
    %dma_wait3A_151 = arith.constant 0 : i32
    %dma_wait3A_152 = tpu.memref_slice %arg4[%add3A_110, %dma_wait3A_151] : memref<8192x512xf32, #tpu.memory_space<hbm>> -> memref<32x512xf32, #tpu.memory_space<hbm>>
    tpu.wait_dma2 semaphore(%arg23 : memref<!tpu.dma_semaphore, #tpu.memory_space<semaphore_mem>>) src(%arg11 : memref<32x512xf32, #tpu.memory_space<vmem>>) dst(%dma_wait3A_152 : memref<32x512xf32, #tpu.memory_space<hbm>>)
    %dma_wait3A_153 = arith.constant 0 : i32
    %dma_wait3A_154 = tpu.memref_slice %arg4[%add3A_121, %dma_wait3A_153] : memref<8192x512xf32, #tpu.memory_space<hbm>> -> memref<32x512xf32, #tpu.memory_space<hbm>>
    %dma_wait3A_155 = arith.constant 0 : i32
    %dma_wait3A_156 = tpu.memref_slice %arg4[%add3A_121, %dma_wait3A_155] : memref<8192x512xf32, #tpu.memory_space<hbm>> -> memref<32x512xf32, #tpu.memory_space<hbm>>
    tpu.wait_dma2 semaphore(%arg18 : memref<!tpu.dma_semaphore, #tpu.memory_space<semaphore_mem>>) src(%arg6 : memref<32x512xf32, #tpu.memory_space<vmem>>) dst(%dma_wait3A_156 : memref<32x512xf32, #tpu.memory_space<hbm>>)
    %dma_wait3A_157 = arith.constant 0 : i32
    %dma_wait3A_158 = tpu.memref_slice %arg4[%add3A_132, %dma_wait3A_157] : memref<8192x512xf32, #tpu.memory_space<hbm>> -> memref<32x512xf32, #tpu.memory_space<hbm>>
    %dma_wait3A_159 = arith.constant 0 : i32
    %dma_wait3A_160 = tpu.memref_slice %arg4[%add3A_132, %dma_wait3A_159] : memref<8192x512xf32, #tpu.memory_space<hbm>> -> memref<32x512xf32, #tpu.memory_space<hbm>>
    tpu.wait_dma2 semaphore(%arg19 : memref<!tpu.dma_semaphore, #tpu.memory_space<semaphore_mem>>) src(%arg7 : memref<32x512xf32, #tpu.memory_space<vmem>>) dst(%dma_wait3A_160 : memref<32x512xf32, #tpu.memory_space<hbm>>)
    return
  }
}

module attributes {stable_mosaic.version = 14 : i64} {
  func.func @_argmax_body(%arg0: i32, %arg1: memref<1024x512xf32, #tpu.memory_space<vmem>>, %arg2: memref<512x1024xf32, #tpu.memory_space<vmem>>, %arg3: memref<1x1024xf32, #tpu.memory_space<vmem>>, %arg4: memref<128x512xf32, #tpu.memory_space<vmem>>, %arg5: memref<1x512xf32, #tpu.memory_space<vmem>>, %arg6: memref<1x1x1024xi32, #tpu.memory_space<vmem>>, %arg7: memref<128x512xf32, #tpu.memory_space<vmem>>) attributes {dimension_semantics = [#tpu.dimension_semantics<arbitrary>], iteration_bounds = array<i64: 8>, scalar_prefetch = 0 : i64, scratch_operands = 0 : i64, tpu.core_type = #tpu.core_type<tc>, window_params = [{transform_indices = @transform_0, window_bounds = array<i64: 1024, 512>}, {pipeline_mode = #tpu.pipeline_mode<synchronous>, transform_indices = @transform_1, window_bounds = array<i64: 512, 1024>}, {pipeline_mode = #tpu.pipeline_mode<synchronous>, transform_indices = @transform_2, window_bounds = array<i64: 1, 1024>}, {transform_indices = @transform_3, window_bounds = array<i64: 128, 512>}, {pipeline_mode = #tpu.pipeline_mode<synchronous>, transform_indices = @transform_4, window_bounds = array<i64: 1, 512>}, {transform_indices = @transform_5, window_bounds = array<i64: 1, 1, 1024>}, {transform_indices = @transform_6, window_bounds = array<i64: 128, 512>}]} {
    %get3A = arith.constant 0 : index
    %get3A_0 = arith.constant 0 : index
    %get3A_1 = vector.load %arg1[%get3A, %get3A_0] : memref<1024x512xf32, #tpu.memory_space<vmem>>, vector<1024x512xf32>
    %get3A_2 = arith.constant 0 : index
    %get3A_3 = arith.constant 0 : index
    %get3A_4 = vector.load %arg2[%get3A_2, %get3A_3] : memref<512x1024xf32, #tpu.memory_space<vmem>>, vector<512x1024xf32>
    %dot_general3A = arith.constant dense<0.000000e+00> : vector<1024x1024xf32>
    %dot_general3A_5 = tpu.matmul %get3A_1, %get3A_4, %dot_general3A {dimension_numbers = #tpu.dot_dimension_numbers<[1], [0], [0], [1], [0, 0, 1, 1], [], []>, transpose_lhs_hint = false} : vector<1024x512xf32>, vector<512x1024xf32>, vector<1024x1024xf32> -> vector<1024x1024xf32>
    %get3A_6 = arith.constant 0 : index
    %get3A_7 = arith.constant 0 : index
    %get3A_8 = vector.load %arg3[%get3A_6, %get3A_7] : memref<1x1024xf32, #tpu.memory_space<vmem>>, vector<1x1024xf32>
    %add3A = vector.broadcast %get3A_8 : vector<1x1024xf32> to vector<1024x1024xf32>
    %add3A_9 = arith.addf %dot_general3A_5, %add3A : vector<1024x1024xf32>
    %argmax3A = tpu.reduce_index %add3A_9 {axis = 1 : i32, kind = #tpu.reduction_kind<arg_max>} : vector<1024x1024xf32> -> vector<1024xi32>
    %reshape3A = vector.shape_cast %argmax3A : vector<1024xi32> to vector<1x1x1024xi32>
    %swap3A = arith.constant 0 : index
    %swap3A_10 = arith.constant 0 : index
    %swap3A_11 = arith.constant 0 : index
    %swap3A_12 = vector.load %arg6[%swap3A, %swap3A_10, %swap3A_11] : memref<1x1x1024xi32, #tpu.memory_space<vmem>>, vector<1x1x1024xi32>
    tpu.vector_store %arg6[%swap3A, %swap3A_10, %swap3A_11], %reshape3A {strides = array<i32>} : memref<1x1x1024xi32, #tpu.memory_space<vmem>>, vector<1x1x1024xi32>,
    %get3A_13 = arith.constant 0 : index
    %get3A_14 = arith.constant 0 : index
    %get3A_15 = vector.load %arg4[%get3A_13, %get3A_14] : memref<128x512xf32, #tpu.memory_space<vmem>>, vector<128x512xf32>
    %get3A_16 = arith.constant 0 : index
    %get3A_17 = arith.constant 0 : index
    %get3A_18 = vector.load %arg5[%get3A_16, %get3A_17] : memref<1x512xf32, #tpu.memory_space<vmem>>, vector<1x512xf32>
    %add3A_19 = vector.broadcast %get3A_18 : vector<1x512xf32> to vector<128x512xf32>
    %add3A_20 = arith.addf %get3A_15, %add3A_19 : vector<128x512xf32>
    %swap3A_21 = arith.constant 0 : index
    %swap3A_22 = arith.constant 0 : index
    %swap3A_23 = vector.load %arg7[%swap3A_21, %swap3A_22] : memref<128x512xf32, #tpu.memory_space<vmem>>, vector<128x512xf32>
    tpu.vector_store %arg7[%swap3A_21, %swap3A_22], %add3A_20 {strides = array<i32>} : memref<128x512xf32, #tpu.memory_space<vmem>>, vector<128x512xf32>,
    return
  }
  func.func @transform_0(%arg0: i32) -> (i32, i32) {
    %c0_i32 = arith.constant 0 : i32
    %c0_i32_0 = arith.constant 0 : i32
    return %arg0, %c0_i32 : i32, i32
  }
  func.func @transform_1(%arg0: i32) -> (i32, i32) {
    %c0_i32 = arith.constant 0 : i32
    %c0_i32_0 = arith.constant 0 : i32
    %c0_i32_1 = arith.constant 0 : i32
    return %c0_i32, %c0_i32_0 : i32, i32
  }
  func.func @transform_2(%arg0: i32) -> (i32, i32) {
    %c0_i32 = arith.constant 0 : i32
    %c0_i32_0 = arith.constant 0 : i32
    %c0_i32_1 = arith.constant 0 : i32
    return %c0_i32, %c0_i32_0 : i32, i32
  }
  func.func @transform_3(%arg0: i32) -> (i32, i32) {
    %c0_i32 = arith.constant 0 : i32
    %c0_i32_0 = arith.constant 0 : i32
    return %arg0, %c0_i32 : i32, i32
  }
  func.func @transform_4(%arg0: i32) -> (i32, i32) {
    %c0_i32 = arith.constant 0 : i32
    %c0_i32_0 = arith.constant 0 : i32
    %c0_i32_1 = arith.constant 0 : i32
    return %c0_i32, %c0_i32_0 : i32, i32
  }
  func.func @transform_5(%arg0: i32) -> (i32, i32, i32) {
    %c0_i32 = arith.constant 0 : i32
    %c0_i32_0 = arith.constant 0 : i32
    %c0_i32_1 = arith.constant 0 : i32
    return %arg0, %c0_i32, %c0_i32_0 : i32, i32, i32
  }
  func.func @transform_6(%arg0: i32) -> (i32, i32) {
    %c0_i32 = arith.constant 0 : i32
    %c0_i32_0 = arith.constant 0 : i32
    return %arg0, %c0_i32 : i32, i32
  }
}

</mosaic_0001>

<sc_bundles>
// kernel: kernel.4.cloned.1.call-start
scs
__scs_entry_jumppad:
0x0: {  	(pc) =	sbr.rel $0x88, $3  }
0x1: {  	(tag) =	ssettag $0x0;
	lr =	simm.s32 $0x1  }
0x2: {  	[smem:$0x3F9C] =	sst lr;
	_ =	strace $0xD0000000  }
0x3: {  	_ = 	snop  }
0x4: {  	_ = 	snop  }
0x5: {  	_ = 	snop  }
0x6: {  	_ = 	snop  }
0x7: {  	_ = 	snop  }
__scs_overlays_trampoline_lowered:
0x8: {  	[smem:$0x3FAB] =	sst s0  }
0x9: {  	[smem:$0x3FAC] =	sst s1  }
0xa: {  	[smem:$0x3FAD] =	sst s2  }
0xb: {  	[smem:$0x3FAE] =	sst s3  }
0xc: {  	[smem:$0x3FAF] =	sst s4  }
0xd: {  	[smem:$0x3FB0] =	sst s5  }
0xe: {  	[smem:$0x3FB1] =	sst s6  }
0xf: {  	[smem:$0x3FB2] =	sst s7  }
0x10: {  	[smem:$0x3FB3] =	sst s8  }
0x11: {  	[smem:$0x3FB4] =	sst s9;
	s0 =	simm.s32 @!p0 $0x0  }
0x12: {  	s1 =	sld [smem:$0x3F9A];
	s0 =	simm.s32 @p0 $0x1  }
0x13: {  	[smem:$0x3FB5] =	sst s0;
	s0 =	simm.s32 @!p1 $0x0  }
0x14: {  	s2 =	sld [smem:$0x3F99];
	s0 =	simm.s32 @p1 $0x1  }
0x15: {  	[smem:$0x3FB6] =	sst s0;
	s0 =	simm.s32 @!p2 $0x0  }
0x16: {  	s3 =	sld [smem:$0x3FDB];
	s0 =	simm.s32 @p2 $0x1  }
0x17: {  	s4 =	simm.s32 $0x1BF5;
	[smem:$0x3FB8] =	sst s0  }
0x18: {  	s0 =	sld [smem:$0x3F9B];
	_ =	swait.ge [sflag:s4], $0x0  }
0x19: {  	s7 =	sld [smem:$0x3F9C]  }
0x1a: {  	s8 =	sadd.s32 $0xFFFFE003, lr  }
0x1b: {  	s9 =	sadd.s32 $0xFFFFFEF7, lr;
	s5 =	simm.s32 $0xFFFFFFFF;
	p2 =	slt.u32 s8, $0xFFFFF086  }
0x1c: {  	p1 =	slt.u32 s9, $0xF7A;
	s5 =	simm.s32 @!p2 $0x0  }
0x1d: {  	s5 =	simm.s32 @p1 $0x1;
	p0 =	seq.s32 s7, s2  }
0x1e: {  	s7 =	smul.u32 @!p0 $0xF7A, s2;
	p2 =	seq.s32 @!p0 s5, $0x0  }
0x1f: {  	s9 =	smul.u32 $0xF7A, s1;
	s8 =	simm.s32 @!p0 $0x1BF5;
	p2 =	por !p2, p0  }
0x20: {  	[sflag:s8] =	ssyncset.s32 @!p0 $0xFFFFF086;
	s6 =	sadd.s32 @!p0 s3, s7;
	s7 =	simm.s32 @!p0 $0x108  }
0x21: {  	s3 =	sadd.s32 s3, s9;
	s6 =	sadd.s32 @!p0 $0x88, s6;
	s7 =	simm.s32 @p2 $0x1082  }
0x22: {  	[simem:s7], [sflag:s8] =	dma.local @!p0 [hbm:s6], $0xF7A  }
0x23: {  	s9 =	sor.u32 $0xD0000000, s2;
	s6 =	simm.s32 $0x108;
	_ =	swait.ge @!p0 [sflag:s8], $0x0  }
0x24: {  	s3 =	sadd.s32 $0x88, s3;
	s6 =	simm.s32 @!p1 $0x1082;
	[sflag:s4] =	ssyncset.s32 $0xFFFFF086  }
0x25: {  	[simem:s6], [sflag:s4] =	dma.local [hbm:s3], $0xF7A  }
0x26: {  	[smem:$0x3F9C] =	sst s1;
	(tag) =	ssettag s2;
	_ =	strace s9  }
0x27: {  	s1 =	sld [smem:$0x3FAC]  }
0x28: {  	s2 =	sld [smem:$0x3FAD]  }
0x29: {  	s4 =	sld [smem:$0x3FAF]  }
0x2a: {  	p0 =	seq.s32 s5, $0x0;
	s5 =	sld [smem:$0x3FB0]  }
0x2b: {  	s6 =	sld [smem:$0x3FB1]  }
0x2c: {  	s7 =	sld [smem:$0x3FB2]  }
0x2d: {  	s3 =	simm.s32 $0x108;
	s8 =	sld [smem:$0x3FB3]  }
0x2e: {  	s3 =	simm.s32 @!p0 $0x1082;
	s9 =	sld [smem:$0x3FB4]  }
0x2f: {  	lr =	sadd.s32 s0, s3;
	s0 =	sld [smem:$0x3FAB]  }
0x30: {  	s3 =	sld [smem:$0x3FAE]  }
0x31: {  	[smem:$0x3FB7] =	sst s10  }
0x32: {  	s10 =	sld [smem:$0x3FB5];
	_ =	sdelay $0x3  }
0x33: {  	p0 =	seq.s32 s10, $0x1;
	s10 =	sld [smem:$0x3FB7];
	_ =	sdelay $0x3  }
0x34: {  	[smem:$0x3FB7] =	sst s10  }
0x35: {  	s10 =	sld [smem:$0x3FB6];
	_ =	sdelay $0x3  }
0x36: {  	p1 =	seq.s32 s10, $0x1;
	s10 =	sld [smem:$0x3FB7];
	_ =	sdelay $0x3  }
0x37: {  	[smem:$0x3FB7] =	sst s10  }
0x38: {  	s10 =	sld [smem:$0x3FB8]  }
0x39: {  	_ = 	snop;
	(pc) =	sbr.ind lr, $3  }
0x3a: {  	_ = 	snop  }
0x3b: {  	_ = 	snop  }
0x3c: {  	p2 =	seq.s32 s10, $0x1;
	s10 =	sld [smem:$0x3FB7]  }
0x3d: {  	_ =	shalt  }
0x3e: {  	_ =	shalt  }
0x3f: {  	_ =	shalt  }
0x40: {  	_ =	shalt  }
0x41: {  	_ =	shalt  }
0x42: {  	_ =	shalt  }
0x43: {  	_ =	shalt  }
0x44: {  	_ =	shalt  }
0x45: {  	_ =	shalt  }
0x46: {  	_ =	shalt  }
0x47: {  	_ =	shalt  }
0x48: {  	_ =	shalt  }
0x49: {  	_ =	shalt  }
0x4a: {  	_ =	shalt  }
0x4b: {  	_ =	shalt  }
0x4c: {  	_ =	shalt  }
0x4d: {  	_ =	shalt  }
0x4e: {  	_ =	shalt  }
0x4f: {  	_ =	shalt  }
0x50: {  	_ =	shalt  }
0x51: {  	_ =	shalt  }
0x52: {  	_ =	shalt  }
0x53: {  	_ =	shalt  }
0x54: {  	_ =	shalt  }
0x55: {  	_ =	shalt  }
0x56: {  	_ =	shalt  }
0x57: {  	_ =	shalt  }
0x58: {  	_ =	shalt  }
0x59: {  	_ =	shalt  }
0x5a: {  	_ =	shalt  }
0x5b: {  	_ =	shalt  }
0x5c: {  	_ =	shalt  }
0x5d: {  	_ =	shalt  }
0x5e: {  	_ =	shalt  }
0x5f: {  	_ =	shalt  }
0x60: {  	_ =	shalt  }
0x61: {  	_ =	shalt  }
0x62: {  	_ =	shalt  }
0x63: {  	_ =	shalt  }
0x64: {  	_ =	shalt  }
0x65: {  	_ =	shalt  }
0x66: {  	_ =	shalt  }
0x67: {  	_ =	shalt  }
0x68: {  	_ =	shalt  }
0x69: {  	_ =	shalt  }
0x6a: {  	_ =	shalt  }
0x6b: {  	_ =	shalt  }
0x6c: {  	_ =	shalt  }
0x6d: {  	_ =	shalt  }
0x6e: {  	_ =	shalt  }
0x6f: {  	_ =	shalt  }
0x70: {  	_ =	shalt  }
0x71: {  	_ =	shalt  }
0x72: {  	_ =	shalt  }
0x73: {  	_ =	shalt  }
0x74: {  	_ =	shalt  }
0x75: {  	_ =	shalt  }
0x76: {  	_ =	shalt  }
0x77: {  	_ =	shalt  }
0x78: {  	_ =	shalt  }
0x79: {  	_ =	shalt  }
0x7a: {  	_ =	shalt  }
0x7b: {  	_ =	shalt  }
0x7c: {  	_ =	shalt  }
0x7d: {  	_ =	shalt  }
0x7e: {  	_ =	shalt  }
0x7f: {  	_ =	shalt  }
0x80: {  	_ =	shalt  }
0x81: {  	_ =	shalt  }
0x82: {  	_ =	shalt  }
0x83: {  	_ =	shalt  }
0x84: {  	_ =	shalt  }
0x85: {  	_ =	shalt  }
0x86: {  	_ =	shalt  }
0x87: {  	_ =	shalt  }
.Lfunc_end0:
.L_simem_size_0:
called_computation_lowered:
.L_overlay_start_0:
0x88: {  	s2 =	sld [smem:$0x3FD9]  }
0x89: {  	s3 =	sld [smem:$0x3FFE];
	_ =	sdelay $0x1  }
0x8a: {  	s1 =	srdreg.scid  }
0x8b: {  	s0 =	sand.u32 $0x1, s1  }
0x8c: {  	s17 =	sshll.u32 s0, $0xA;
	s2 =	sadd.s32 s3, s2  }
0x8d: {  	s2 =	sadd.s32 s2, s17  }
0x8e: {  	[smem:$0x3FC3] =	sst s2  }
0x8f: {  	_ = 	snop  }
0x90: {  	s2 =	sld [smem:$0x3FD0];
	(tm) =	ssettm $0x1  }
0x91: {  	s18 =	sld [smem:$0x3FFB];
	_ =	sdelay $0x3  }
0x92: {  	_ =	strace s18  }
0x93: {  	s3 =	sld [smem:$0x3FFC];
	_ =	sdelay $0x3  }
0x94: {  	_ =	strace s3  }
0x95: {  	s3 =	sld [smem:$0x3FFD];
	_ =	sdelay $0x3  }
0x96: {  	_ =	strace s3  }
0x97: {  	_ =	strace $0x8FFFFFFF  }
0x98: {  	s19 =	sld [smem:$0x3FDB];
	_ =	sdelay $0x1  }
0x99: {  	s4 =	simm.s32 $_scs_section_size  }
0x9a: {  	s5 =	simm.s32 $_size__tile_overlayer_lowered;
	s6 =	simm.s32 $_tile_overlayer_lowered  }
0x9b: {  	s22 =	simm.s32 $0x1BFF;
	s21 =	sshll.u32 s6, $0x1;
	s3 =	sadd.s32 s4, s19  }
0x9c: {  	s7 =	simm.s32 $0x0;
	s20 =	sshll.u32 s5, $0x1;
	s5 =	sadd.s32 s21, s3  }
0x9d: {  	[timem:s7], [sflag:s22] =	dma.local [hbm:s5], s20  }
0x9e: {  	_ =	swait.ge [sflag:s22], s20  }
0x9f: {  	s4 =	ssub.s32 $0x0, s20;
	[sflag:s22] =	ssyncset.done $0x0  }
0xa0: {  	[sflag:s22] =	ssyncadd.s32 s4;
	_ =	sdelay $0x1  }
0xa1: {  	s23 =	simm.s32 $0x1B8B  }
0xa2: {  	_ =	swait.ge [sflag:s23], $0x1  }
0xa3: {  	[sflag:s23] =	ssyncset.done $0x0  }
0xa4: {  	s25 =	simm.s32 $0x1B8E;
	s24 =	sld [smem:$0x3FFE];
	[sflag:s23] =	ssyncadd.s32 $0xFFFFFFFF  }
0xa5: {  	s26 =	simm.s32 $execute0_lowered;
	[smem:$0x3FD2] =	sst s25  }
0xa6: {  	s5 =	sshll.u32 s26, $0x1;
	_ =	strace $0x80000046;
	[dreg:$0x1] =	wrdreg $0xFFFFFFFF  }
0xa7: {  	s28 =	simm.s32 $_size_execute0_lowered;
	s3 =	sadd.s32 s3, s5;
	[dreg:$0x0] =	wrdreg $0x0  }
0xa8: {  	s5 =	sshll.u32 s28, $0x1;
	[dreg:$0x2] =	wrdreg s3  }
0xa9: {  	[dreg:$0x3] =	wrdreg s5  }
0xaa: {  	[dreg:$0x4] =	wrdreg $0xC0  }
0xab: {  	_ =	task [dreg:s7], $0x5FFFF  }
0xac: {  	[dreg:$0x1] =	wrdreg $0xFFFFFFFF  }
0xad: {  	[dreg:$0x0] =	wrdreg $0x60  }
0xae: {  	[dreg:$0x2] =	wrdreg s24  }
0xaf: {  	[dreg:$0x3] =	wrdreg s2  }
0xb0: {  	[dreg:$0x4] =	wrdreg $0x9  }
0xb1: {  	_ =	task.clear_ibuf [dreg:s7], $0x5FFFF;
	_ =	strace $0x90000046  }
0xb2: {  	s29 =	simm.s32 $0x9;
	_ =	strace $0x80000048  }
0xb3: {  	_ =	swait.ge [sflag:s29], $0x1  }
0xb4: {  	[sflag:s29] =	ssyncadd.s32 $0xFFFFFFFF  }
0xb5: {  	_ =	strace $0x90000048  }
0xb6: {  	_ =	sfence  }
0xb7: {  	s30 =	sld [smem:$0x0];
	_ =	sdelay $0x2  }
0xb8: {  	s31 =	sshll.u32 s1, $0xD;
	s1 =	sshrl.u32 s1, $0x2  }
0xb9: {  	s3 =	sand.u32 $0x4000, s31;
	s1 =	sadd.s32 s1, s30  }
0xba: {  	s0 =	sor.u32 s3, s0;
	s1 =	sshll.u32 s1, $0x11  }
0xbb: {  	s0 =	sor.u32 s1, s0  }
0xbc: {  	s0 =	sadd.s32 $0x8F2B, s0  }
0xbd: {  	[sflag:s0] =	ssyncadd.remote.s32 $0x1  }
0xbe: {  	_ =	sfence.sel $0xFFFF  }
0xbf: {  	[dreg:$0x0] =	wrdreg $0xFFFFFFFF;
	(pc) =	sbr.abs _section_cstart, $3  }
0xc0: {  	[dreg:$0x1] =	wrdreg $0xFFFFFFFF  }
0xc1: {  	_ =	task.clear_ibuf [dreg:s7], $0x2FFFF;
	_ =	strace $0x9FFFFFFF  }
0xc2: {  	(tm) =	ssettm $0x7FFFFFFF  }
0xc3: {  	_ =	shalt  }
tec
execute0_lowered:
.L_overlay_start_1:
0x0: {  	(tag) =	ssettag $0x1  }
0x1: {  	s0 =	srdreg.scid  }
0x2: {  	s2 =	stileid.u32;
	s0 =	sand.u32 $0x1, s0  }
0x3: {  	s1 =	rddreg [dreg:$0x0];
	s2 =	sshll.u32 s2, $0x9;
	s3 =	sshll.u32 s0, $0x8  }
0x4: {  	s4 =	rddreg [dreg:$0x1];
	s3 =	sor.u32 s3, s2;
	s2 =	simm.s32 $0x0  }
0x5: {  	s20 =	simm.s32 $0x8900;
	[smem:$0x7FF] =	sst s2  }
0x6: {  	s21 =	simm.s32 $0x9100;
	_ =	strace $0x80000047;
	[dreg:$0xb] =	wrdreg s20  }
0x7: {  	s22 =	simm.s32 $0x9900;
	[dreg:$0xc] =	wrdreg s21  }
0x8: {  	s23 =	simm.s32 $0xA100;
	[dreg:$0xd] =	wrdreg s22  }
0x9: {  	s24 =	simm.s32 $0xA900;
	[dreg:$0xe] =	wrdreg s23  }
0xa: {  	s25 =	simm.s32 $0xB100;
	[dreg:$0xf] =	wrdreg s24  }
0xb: {  	s26 =	simm.s32 $0xB900;
	[dreg:$0x10] =	wrdreg s25  }
0xc: {  	s7 =	simm.s32 $0xD100;
	[dreg:$0x11] =	wrdreg s26  }
0xd: {  	s8 =	simm.s32 $0xD900;
	[dreg:$0x13] =	wrdreg s7  }
0xe: {  	s9 =	simm.s32 $0xE100;
	[dreg:$0x14] =	wrdreg s8  }
0xf: {  	s10 =	simm.s32 $0xE900;
	s11 =	simm.s32 $0xF100;
	[dreg:$0x15] =	wrdreg s9  }
0x10: {  	s12 =	simm.s32 $0xF900;
	s13 =	simm.s32 $0x10900;
	[dreg:$0x16] =	wrdreg s10  }
0x11: {  	s29 =	simm.s32 $0x1;
	s30 =	simm.s32 $0x7;
	[dreg:$0x17] =	wrdreg s11  }
0x12: {  	s5 =	sshrl.u32 s3, $0x3;
	s3 =	sshll.u32 s3, $0x6;
	[dreg:$0x18] =	wrdreg s12  }
0x13: {  	s31 =	simm.s32 $0x2;
	s3 =	sadd.s32 s4, s3;
	[dreg:$0x19] =	wrdreg s13  }
0x14: {  	s28 =	simm.s32 $0x5900;
	s20 =	simm.s32 $0x14900;
	[smem:$0x7F6] =	sst s3  }
0x15: {  	s0 =	ssub.s32 $0x2, s0;
	s21 =	simm.s32 $0x15100;
	[smem:$0x7F7] =	sst s20  }
0x16: {  	s6 =	sshrl.u32 s0, $0x1;
	s22 =	simm.s32 $0x15900;
	[smem:$0x7F8] =	sst s21  }
0x17: {  	s0 =	ssub.s32 s0, s6;
	s23 =	simm.s32 $0x16100;
	[smem:$0x7F9] =	sst s22  }
0x18: {  	s5 =	sadd.s32 s5, s1;
	s24 =	simm.s32 $0x16900;
	[smem:$0x7FA] =	sst s23  }
0x19: {  	s6 =	smax.u32 s0, $0x1;
	s25 =	simm.s32 $0x17100;
	[smem:$0x7FB] =	sst s24  }
0x1a: {  	s8 =	simm.s32 $0x100;
	s26 =	simm.s32 $0x17900;
	[smem:$0x7FC] =	sst s25  }
0x1b: {  	s7 =	simm.s32 $0x6100;
	s5 =	sadd.s32 $0x11200, s5;
	[smem:$0x7FD] =	sst s26  }
0x1c: {  	s9 =	simm.s32 $0x7100;
	s4 =	sadd.s32 $0x800, s3;
	[dreg:$0x3] =	wrdreg s5  }
0x1d: {  	s10 =	simm.s32 $0x7900;
	s14 =	sadd.s32 $0x1000, s3;
	[dreg:$0x4] =	wrdreg s4  }
0x1e: {  	s11 =	simm.s32 $0x8100;
	s15 =	sadd.s32 $0x1800, s3;
	[dreg:$0x5] =	wrdreg s14  }
0x1f: {  	s12 =	simm.s32 $0xC100;
	s16 =	sadd.s32 $0x2000, s3;
	[dreg:$0x6] =	wrdreg s15  }
0x20: {  	s13 =	simm.s32 $0x10100;
	s17 =	sadd.s32 $0x2800, s3;
	[dreg:$0x7] =	wrdreg s16  }
0x21: {  	s18 =	sadd.s32 $0x3000, s3;
	s19 =	sadd.s32 $0x3800, s3;
	[dreg:$0x8] =	wrdreg s17  }
0x22: {  	s3 =	simm.s32 $0xC900;
	s20 =	simm.s32 $0x1100;
	[dreg:$0x9] =	wrdreg s18  }
0x23: {  	s21 =	simm.s32 $0x2100;
	s22 =	simm.s32 $0x2900;
	[dreg:$0xa] =	wrdreg s19  }
0x24: {  	s23 =	simm.s32 $0x3100;
	[dreg:$0x12] =	wrdreg s3;
	s14 =	simm.s32 $0x11100  }
0x25: {  	s24 =	simm.s32 $0x3900;
	s15 =	simm.s32 $0x11900;
	[dreg:$0x1a] =	wrdreg s14  }
0x26: {  	s25 =	simm.s32 $0x4900;
	s16 =	simm.s32 $0x12100;
	[dreg:$0x1b] =	wrdreg s15  }
0x27: {  	s26 =	simm.s32 $0x5100;
	s17 =	simm.s32 $0x12900;
	[dreg:$0x1c] =	wrdreg s16  }
0x28: {  	s4 =	sadd.s32 $0x1200, s1;
	s18 =	simm.s32 $0x13100;
	[dreg:$0x1d] =	wrdreg s17  }
0x29: {  	v2 =	vlaneseq.u32;
	s5 =	sadd.s32 $0x1300, s1;
	s19 =	simm.s32 $0x13900;
	[dreg:$0x1e] =	wrdreg s18  }
0x2a: {  	vm0 =	vmmov $0xffff;
	v1 =	vshrl.u32 v2, $0x3;
	s1 =	simm.s32 $0x8;
	s16 =	simm.s32 $0x4100;
	[dreg:$0x1f] =	wrdreg s19  }
0x2b: {  	v0 =	vand.u32 $0x7, v2;
	v2 =	vor.u32 $0x8, v2;
	v1 =	vmul.u32 $0x8, v1;
	s15 =	simm.s32 $0xC;
	s19 =	simm.s32 $0x900;
	s14 =	simm.s32 $0x14100  }
.LBB2_1:
0x2c: {  	s17 =	rddreg [dreg:$0x3];
	s3 =	simm.s32 $0xD  }
0x2d: {  	[tilespmem:s2], [sflag:$0xD] =	stream.linear.gather [hbm4b:s17+s2], $0x100, $0x38;
	[tilespmem:$0x18100] =	vst v63  }
0x2e: {  	_ =	swait.ge [sflag:s3], $0x100  }
0x2f: {  	[sflag:s3] =	ssyncset.done $0x0  }
0x30: {  	[sflag:s3] =	ssyncadd.s32 $0xFFFFFF00  }
0x31: {  	v3 =	vld [tilespmem:$0x0];
	_ =	sdelay $0x4  }
0x32: {  	v4 =	vshll.u32 v3, $0x2  }
0x33: {  	v3 =	vand.u32 $0x7, v3;
	v4 =	vand.u32 $0xFFFFFFE0, v4  }
0x34: {  	v3 =	vor.u32 v3, v4  }
0x35: {  	v4 =	vperm.xlane v3, v0;
	_ =	sdelay $0x1  }
0x36: {  	v4 =	vadd.s32 v1, v4;
	_ =	sdelay $0x1  }
0x37: {  	v3 =	vperm.xlane v3, v2;
	_ =	sdelay $0x1  }
0x38: {  	v3 =	vadd.s32 v1, v3  }
0x39: {  	[tilespmem:s8], [sflag:$0x1] =	stream.indirect_vreg.gather [hbm4b:s4+s2], $0x80, v4, vm0, $0xb8;
	[tilespmem:$0x18100] =	vst v63  }
0x3a: {  	_ = 	snop  }
0x3b: {  	[tilespmem:s19], [sflag:$0x1] =	stream.indirect_vreg.gather [hbm4b:s5+s2], $0x80, v4, vm0, $0xb8;
	[tilespmem:$0x18100] =	vst v63  }
0x3c: {  	_ = 	snop  }
0x3d: {  	[tilespmem:s20], [sflag:$0x1] =	stream.indirect_vreg.gather [hbm4b:s4+s2], $0x80, v3, vm0, $0xb8;
	[tilespmem:$0x18100] =	vst v63  }
0x3e: {  	s3 =	simm.s32 $0x1900  }
0x3f: {  	[tilespmem:s3], [sflag:$0x1] =	stream.indirect_vreg.gather [hbm4b:s5+s2], $0x80, v3, vm0, $0xb8;
	[tilespmem:$0x18100] =	vst v63  }
0x40: {  	v3 =	vld [tilespmem:$0x10];
	_ =	sdelay $0x4  }
0x41: {  	v49 =	vshll.u32 v3, $0x2  }
0x42: {  	v3 =	vand.u32 $0x7, v3;
	v4 =	vand.u32 $0xFFFFFFE0, v49  }
0x43: {  	v3 =	vor.u32 v3, v4  }
0x44: {  	v4 =	vperm.xlane v3, v0;
	_ =	sdelay $0x1  }
0x45: {  	v4 =	vadd.s32 v1, v4;
	_ =	sdelay $0x1  }
0x46: {  	v3 =	vperm.xlane v3, v2;
	_ =	sdelay $0x1  }
0x47: {  	v3 =	vadd.s32 v1, v3  }
0x48: {  	[tilespmem:s21], [sflag:$0x1] =	stream.indirect_vreg.gather [hbm4b:s4+s2], $0x80, v4, vm0, $0xb8;
	[tilespmem:$0x18100] =	vst v63  }
0x49: {  	_ = 	snop  }
0x4a: {  	[tilespmem:s22], [sflag:$0x1] =	stream.indirect_vreg.gather [hbm4b:s5+s2], $0x80, v4, vm0, $0xb8;
	[tilespmem:$0x18100] =	vst v63  }
0x4b: {  	_ = 	snop  }
0x4c: {  	[tilespmem:s23], [sflag:$0x1] =	stream.indirect_vreg.gather [hbm4b:s4+s2], $0x80, v3, vm0, $0xb8;
	[tilespmem:$0x18100] =	vst v63  }
0x4d: {  	_ = 	snop  }
0x4e: {  	[tilespmem:s24], [sflag:$0x1] =	stream.indirect_vreg.gather [hbm4b:s5+s2], $0x80, v3, vm0, $0xb8;
	[tilespmem:$0x18100] =	vst v63  }
0x4f: {  	v3 =	vld [tilespmem:$0x20];
	_ =	sdelay $0x4  }
0x50: {  	v50 =	vshll.u32 v3, $0x2  }
0x51: {  	v3 =	vand.u32 $0x7, v3;
	v4 =	vand.u32 $0xFFFFFFE0, v50  }
0x52: {  	v3 =	vor.u32 v3, v4  }
0x53: {  	v4 =	vperm.xlane v3, v0;
	_ =	sdelay $0x1  }
0x54: {  	v4 =	vadd.s32 v1, v4;
	_ =	sdelay $0x1  }
0x55: {  	v3 =	vperm.xlane v3, v2;
	_ =	sdelay $0x1  }
0x56: {  	v3 =	vadd.s32 v1, v3  }
0x57: {  	[tilespmem:s16], [sflag:$0x2] =	stream.indirect_vreg.gather [hbm4b:s4+s2], $0x80, v4, vm0, $0xb8;
	[tilespmem:$0x18100] =	vst v63  }
0x58: {  	_ = 	snop  }
0x59: {  	[tilespmem:s25], [sflag:$0x2] =	stream.indirect_vreg.gather [hbm4b:s5+s2], $0x80, v4, vm0, $0xb8;
	[tilespmem:$0x18100] =	vst v63  }
0x5a: {  	_ = 	snop  }
0x5b: {  	[tilespmem:s26], [sflag:$0x2] =	stream.indirect_vreg.gather [hbm4b:s4+s2], $0x80, v3, vm0, $0xb8;
	[tilespmem:$0x18100] =	vst v63  }
0x5c: {  	_ = 	snop  }
0x5d: {  	[tilespmem:s28], [sflag:$0x2] =	stream.indirect_vreg.gather [hbm4b:s5+s2], $0x80, v3, vm0, $0xb8;
	[tilespmem:$0x18100] =	vst v63  }
0x5e: {  	v3 =	vld [tilespmem:$0x30];
	_ =	sdelay $0x4  }
0x5f: {  	v51 =	vshll.u32 v3, $0x2  }
0x60: {  	v3 =	vand.u32 $0x7, v3;
	v4 =	vand.u32 $0xFFFFFFE0, v51  }
0x61: {  	v3 =	vor.u32 v3, v4  }
0x62: {  	v4 =	vperm.xlane v3, v0;
	_ =	sdelay $0x1  }
0x63: {  	v4 =	vadd.s32 v1, v4;
	_ =	sdelay $0x1  }
0x64: {  	v3 =	vperm.xlane v3, v2;
	_ =	sdelay $0x1  }
0x65: {  	v3 =	vadd.s32 v1, v3  }
0x66: {  	[tilespmem:s7], [sflag:$0x2] =	stream.indirect_vreg.gather [hbm4b:s4+s2], $0x80, v4, vm0, $0xb8;
	[tilespmem:$0x18100] =	vst v63  }
0x67: {  	s0 =	simm.s32 $0x6900  }
0x68: {  	[tilespmem:s0], [sflag:$0x2] =	stream.indirect_vreg.gather [hbm4b:s5+s2], $0x80, v4, vm0, $0xb8;
	[tilespmem:$0x18100] =	vst v63  }
0x69: {  	_ = 	snop  }
0x6a: {  	[tilespmem:s9], [sflag:$0x2] =	stream.indirect_vreg.gather [hbm4b:s4+s2], $0x80, v3, vm0, $0xb8;
	[tilespmem:$0x18100] =	vst v63  }
0x6b: {  	_ = 	snop  }
0x6c: {  	[tilespmem:s10], [sflag:$0x2] =	stream.indirect_vreg.gather [hbm4b:s5+s2], $0x80, v3, vm0, $0xb8;
	[tilespmem:$0x18100] =	vst v63  }
0x6d: {  	v3 =	vld [tilespmem:$0x40];
	_ =	sdelay $0x4  }
0x6e: {  	v52 =	vshll.u32 v3, $0x2  }
0x6f: {  	v3 =	vand.u32 $0x7, v3;
	v4 =	vand.u32 $0xFFFFFFE0, v52  }
0x70: {  	v3 =	vor.u32 v3, v4  }
0x71: {  	v4 =	vperm.xlane v3, v0;
	_ =	sdelay $0x1  }
0x72: {  	v4 =	vadd.s32 v1, v4;
	_ =	sdelay $0x1  }
0x73: {  	v3 =	vperm.xlane v3, v2;
	_ =	sdelay $0x1  }
0x74: {  	v3 =	vadd.s32 v1, v3  }
0x75: {  	[tilespmem:s11], [sflag:$0x3] =	stream.indirect_vreg.gather [hbm4b:s4+s2], $0x80, v4, vm0, $0xb8;
	[tilespmem:$0x18100] =	vst v63  }
0x76: {  	s17 =	rddreg [dreg:$0xb]  }
0x77: {  	[tilespmem:s17], [sflag:$0x3] =	stream.indirect_vreg.gather [hbm4b:s5+s2], $0x80, v4, vm0, $0xb8;
	[tilespmem:$0x18100] =	vst v63  }
0x78: {  	s18 =	rddreg [dreg:$0xc]  }
0x79: {  	[tilespmem:s18], [sflag:$0x3] =	stream.indirect_vreg.gather [hbm4b:s4+s2], $0x80, v3, vm0, $0xb8;
	[tilespmem:$0x18100] =	vst v63  }
0x7a: {  	s17 =	rddreg [dreg:$0xd]  }
0x7b: {  	[tilespmem:s17], [sflag:$0x3] =	stream.indirect_vreg.gather [hbm4b:s5+s2], $0x80, v3, vm0, $0xb8;
	[tilespmem:$0x18100] =	vst v63  }
0x7c: {  	v3 =	vld [tilespmem:$0x50];
	_ =	sdelay $0x4  }
0x7d: {  	v53 =	vshll.u32 v3, $0x2  }
0x7e: {  	v3 =	vand.u32 $0x7, v3;
	v4 =	vand.u32 $0xFFFFFFE0, v53  }
0x7f: {  	v3 =	vor.u32 v3, v4  }
0x80: {  	v4 =	vperm.xlane v3, v0;
	_ =	sdelay $0x1  }
0x81: {  	v4 =	vadd.s32 v1, v4;
	_ =	sdelay $0x1  }
0x82: {  	v3 =	vperm.xlane v3, v2;
	_ =	sdelay $0x1  }
0x83: {  	s17 =	rddreg [dreg:$0xe];
	v3 =	vadd.s32 v1, v3  }
0x84: {  	[tilespmem:s17], [sflag:$0x3] =	stream.indirect_vreg.gather [hbm4b:s4+s2], $0x80, v4, vm0, $0xb8;
	[tilespmem:$0x18100] =	vst v63  }
0x85: {  	s18 =	rddreg [dreg:$0xf]  }
0x86: {  	[tilespmem:s18], [sflag:$0x3] =	stream.indirect_vreg.gather [hbm4b:s5+s2], $0x80, v4, vm0, $0xb8;
	[tilespmem:$0x18100] =	vst v63  }
0x87: {  	s17 =	rddreg [dreg:$0x10]  }
0x88: {  	[tilespmem:s17], [sflag:$0x3] =	stream.indirect_vreg.gather [hbm4b:s4+s2], $0x80, v3, vm0, $0xb8;
	[tilespmem:$0x18100] =	vst v63  }
0x89: {  	s18 =	rddreg [dreg:$0x11]  }
0x8a: {  	[tilespmem:s18], [sflag:$0x3] =	stream.indirect_vreg.gather [hbm4b:s5+s2], $0x80, v3, vm0, $0xb8;
	[tilespmem:$0x18100] =	vst v63  }
0x8b: {  	v3 =	vld [tilespmem:$0x60];
	_ =	sdelay $0x4  }
0x8c: {  	v54 =	vshll.u32 v3, $0x2  }
0x8d: {  	v3 =	vand.u32 $0x7, v3;
	v4 =	vand.u32 $0xFFFFFFE0, v54  }
0x8e: {  	v3 =	vor.u32 v3, v4  }
0x8f: {  	v4 =	vperm.xlane v3, v0;
	_ =	sdelay $0x1  }
0x90: {  	v4 =	vadd.s32 v1, v4;
	_ =	sdelay $0x1  }
0x91: {  	v3 =	vperm.xlane v3, v2;
	_ =	sdelay $0x1  }
0x92: {  	v3 =	vadd.s32 v1, v3  }
0x93: {  	[tilespmem:s12], [sflag:$0x4] =	stream.indirect_vreg.gather [hbm4b:s4+s2], $0x80, v4, vm0, $0xb8;
	[tilespmem:$0x18100] =	vst v63  }
0x94: {  	s17 =	rddreg [dreg:$0x12]  }
0x95: {  	[tilespmem:s17], [sflag:$0x4] =	stream.indirect_vreg.gather [hbm4b:s5+s2], $0x80, v4, vm0, $0xb8;
	[tilespmem:$0x18100] =	vst v63  }
0x96: {  	s18 =	rddreg [dreg:$0x13]  }
0x97: {  	[tilespmem:s18], [sflag:$0x4] =	stream.indirect_vreg.gather [hbm4b:s4+s2], $0x80, v3, vm0, $0xb8;
	[tilespmem:$0x18100] =	vst v63  }
0x98: {  	s17 =	rddreg [dreg:$0x14]  }
0x99: {  	[tilespmem:s17], [sflag:$0x4] =	stream.indirect_vreg.gather [hbm4b:s5+s2], $0x80, v3, vm0, $0xb8;
	[tilespmem:$0x18100] =	vst v63  }
0x9a: {  	v3 =	vld [tilespmem:$0x70];
	_ =	sdelay $0x4  }
0x9b: {  	v55 =	vshll.u32 v3, $0x2  }
0x9c: {  	v3 =	vand.u32 $0x7, v3;
	v4 =	vand.u32 $0xFFFFFFE0, v55  }
0x9d: {  	v3 =	vor.u32 v3, v4  }
0x9e: {  	v4 =	vperm.xlane v3, v0;
	_ =	sdelay $0x1  }
0x9f: {  	v4 =	vadd.s32 v1, v4;
	_ =	sdelay $0x1  }
0xa0: {  	v3 =	vperm.xlane v3, v2;
	_ =	sdelay $0x1  }
0xa1: {  	s17 =	rddreg [dreg:$0x15];
	v3 =	vadd.s32 v1, v3  }
0xa2: {  	[tilespmem:s17], [sflag:$0x4] =	stream.indirect_vreg.gather [hbm4b:s4+s2], $0x80, v4, vm0, $0xb8;
	[tilespmem:$0x18100] =	vst v63  }
0xa3: {  	s18 =	rddreg [dreg:$0x16]  }
0xa4: {  	[tilespmem:s18], [sflag:$0x4] =	stream.indirect_vreg.gather [hbm4b:s5+s2], $0x80, v4, vm0, $0xb8;
	[tilespmem:$0x18100] =	vst v63  }
0xa5: {  	s17 =	rddreg [dreg:$0x17]  }
0xa6: {  	[tilespmem:s17], [sflag:$0x4] =	stream.indirect_vreg.gather [hbm4b:s4+s2], $0x80, v3, vm0, $0xb8;
	[tilespmem:$0x18100] =	vst v63  }
0xa7: {  	s18 =	rddreg [dreg:$0x18]  }
0xa8: {  	[tilespmem:s18], [sflag:$0x4] =	stream.indirect_vreg.gather [hbm4b:s5+s2], $0x80, v3, vm0, $0xb8;
	[tilespmem:$0x18100] =	vst v63  }
0xa9: {  	v3 =	vld [tilespmem:$0x80];
	_ =	sdelay $0x4  }
0xaa: {  	v56 =	vshll.u32 v3, $0x2  }
0xab: {  	v3 =	vand.u32 $0x7, v3;
	v4 =	vand.u32 $0xFFFFFFE0, v56  }
0xac: {  	v3 =	vor.u32 v3, v4  }
0xad: {  	v4 =	vperm.xlane v3, v0;
	_ =	sdelay $0x1  }
0xae: {  	v4 =	vadd.s32 v1, v4;
	_ =	sdelay $0x1  }
0xaf: {  	v3 =	vperm.xlane v3, v2;
	_ =	sdelay $0x1  }
0xb0: {  	v3 =	vadd.s32 v1, v3  }
0xb1: {  	[tilespmem:s13], [sflag:$0x5] =	stream.indirect_vreg.gather [hbm4b:s4+s2], $0x80, v4, vm0, $0xb8;
	[tilespmem:$0x18100] =	vst v63  }
0xb2: {  	s17 =	rddreg [dreg:$0x19]  }
0xb3: {  	[tilespmem:s17], [sflag:$0x5] =	stream.indirect_vreg.gather [hbm4b:s5+s2], $0x80, v4, vm0, $0xb8;
	[tilespmem:$0x18100] =	vst v63  }
0xb4: {  	s18 =	rddreg [dreg:$0x1a]  }
0xb5: {  	[tilespmem:s18], [sflag:$0x5] =	stream.indirect_vreg.gather [hbm4b:s4+s2], $0x80, v3, vm0, $0xb8;
	[tilespmem:$0x18100] =	vst v63  }
0xb6: {  	s17 =	rddreg [dreg:$0x1b]  }
0xb7: {  	[tilespmem:s17], [sflag:$0x5] =	stream.indirect_vreg.gather [hbm4b:s5+s2], $0x80, v3, vm0, $0xb8;
	[tilespmem:$0x18100] =	vst v63  }
0xb8: {  	v3 =	vld [tilespmem:$0x90];
	_ =	sdelay $0x4  }
0xb9: {  	v57 =	vshll.u32 v3, $0x2  }
0xba: {  	v3 =	vand.u32 $0x7, v3;
	v4 =	vand.u32 $0xFFFFFFE0, v57  }
0xbb: {  	v3 =	vor.u32 v3, v4  }
0xbc: {  	v4 =	vperm.xlane v3, v0;
	_ =	sdelay $0x1  }
0xbd: {  	v4 =	vadd.s32 v1, v4;
	_ =	sdelay $0x1  }
0xbe: {  	v3 =	vperm.xlane v3, v2;
	_ =	sdelay $0x1  }
0xbf: {  	s17 =	rddreg [dreg:$0x1c];
	v3 =	vadd.s32 v1, v3  }
0xc0: {  	[tilespmem:s17], [sflag:$0x5] =	stream.indirect_vreg.gather [hbm4b:s4+s2], $0x80, v4, vm0, $0xb8;
	[tilespmem:$0x18100] =	vst v63  }
0xc1: {  	s18 =	rddreg [dreg:$0x1d]  }
0xc2: {  	[tilespmem:s18], [sflag:$0x5] =	stream.indirect_vreg.gather [hbm4b:s5+s2], $0x80, v4, vm0, $0xb8;
	[tilespmem:$0x18100] =	vst v63  }
0xc3: {  	s17 =	rddreg [dreg:$0x1e]  }
0xc4: {  	[tilespmem:s17], [sflag:$0x5] =	stream.indirect_vreg.gather [hbm4b:s4+s2], $0x80, v3, vm0, $0xb8;
	[tilespmem:$0x18100] =	vst v63  }
0xc5: {  	s18 =	rddreg [dreg:$0x1f]  }
0xc6: {  	[tilespmem:s18], [sflag:$0x5] =	stream.indirect_vreg.gather [hbm4b:s5+s2], $0x80, v3, vm0, $0xb8;
	[tilespmem:$0x18100] =	vst v63  }
0xc7: {  	v3 =	vld [tilespmem:$0xA0];
	_ =	sdelay $0x4  }
0xc8: {  	v58 =	vshll.u32 v3, $0x2  }
0xc9: {  	v3 =	vand.u32 $0x7, v3;
	v4 =	vand.u32 $0xFFFFFFE0, v58  }
0xca: {  	v3 =	vor.u32 v3, v4  }
0xcb: {  	v4 =	vperm.xlane v3, v0;
	_ =	sdelay $0x1  }
0xcc: {  	v4 =	vadd.s32 v1, v4;
	_ =	sdelay $0x1  }
0xcd: {  	v3 =	vperm.xlane v3, v2;
	_ =	sdelay $0x1  }
0xce: {  	s17 =	sld [smem:$0x7F7];
	v3 =	vadd.s32 v1, v3  }
0xcf: {  	[tilespmem:s14], [sflag:$0x6] =	stream.indirect_vreg.gather [hbm4b:s4+s2], $0x80, v4, vm0, $0xb8;
	[tilespmem:$0x18100] =	vst v63  }
0xd0: {  	s18 =	sld [smem:$0x7F8]  }
0xd1: {  	[tilespmem:s17], [sflag:$0x6] =	stream.indirect_vreg.gather [hbm4b:s5+s2], $0x80, v4, vm0, $0xb8;
	[tilespmem:$0x18100] =	vst v63  }
0xd2: {  	s17 =	sld [smem:$0x7F9]  }
0xd3: {  	[tilespmem:s18], [sflag:$0x6] =	stream.indirect_vreg.gather [hbm4b:s4+s2], $0x80, v3, vm0, $0xb8;
	[tilespmem:$0x18100] =	vst v63  }
0xd4: {  	_ = 	snop  }
0xd5: {  	[tilespmem:s17], [sflag:$0x6] =	stream.indirect_vreg.gather [hbm4b:s5+s2], $0x80, v3, vm0, $0xb8;
	[tilespmem:$0x18100] =	vst v63  }
0xd6: {  	v3 =	vld [tilespmem:$0xB0];
	_ =	sdelay $0x4  }
0xd7: {  	v59 =	vshll.u32 v3, $0x2  }
0xd8: {  	v3 =	vand.u32 $0x7, v3;
	v4 =	vand.u32 $0xFFFFFFE0, v59  }
0xd9: {  	v3 =	vor.u32 v3, v4  }
0xda: {  	v4 =	vperm.xlane v3, v0;
	_ =	sdelay $0x1  }
0xdb: {  	v4 =	vadd.s32 v1, v4;
	_ =	sdelay $0x1  }
0xdc: {  	s17 =	sld [smem:$0x7FA];
	v3 =	vperm.xlane v3, v2;
	_ =	sdelay $0x1  }
0xdd: {  	s18 =	sld [smem:$0x7FB];
	v3 =	vadd.s32 v1, v3  }
0xde: {  	[tilespmem:s17], [sflag:$0x6] =	stream.indirect_vreg.gather [hbm4b:s4+s2], $0x80, v4, vm0, $0xb8;
	[tilespmem:$0x18100] =	vst v63  }
0xdf: {  	s17 =	sld [smem:$0x7FC]  }
0xe0: {  	[tilespmem:s18], [sflag:$0x6] =	stream.indirect_vreg.gather [hbm4b:s5+s2], $0x80, v4, vm0, $0xb8;
	[tilespmem:$0x18100] =	vst v63  }
0xe1: {  	s18 =	sld [smem:$0x7FD]  }
0xe2: {  	[tilespmem:s17], [sflag:$0x6] =	stream.indirect_vreg.gather [hbm4b:s4+s2], $0x80, v3, vm0, $0xb8;
	[tilespmem:$0x18100] =	vst v63  }
0xe3: {  	_ = 	snop  }
0xe4: {  	[tilespmem:s18], [sflag:$0x6] =	stream.indirect_vreg.gather [hbm4b:s5+s2], $0x80, v3, vm0, $0xb8;
	[tilespmem:$0x18100] =	vst v63  }
0xe5: {  	_ =	swait.ge [sflag:s29], $0x4000  }
0xe6: {  	s18 =	sld [smem:$0x7F6]  }
0xe7: {  	[sflag:s29] =	ssyncset.done $0x0  }
0xe8: {  	[sflag:s29] =	ssyncadd.s32 $0xFFFFC000  }
0xe9: {  	[hbm4b:s18+s2] =	stream.linear.scatter [tilespmem:s8], [sflag:$0x7], $0x4000, $0x38;
	[tilespmem:$0x18100] =	vst v63  }
0xea: {  	_ =	swait.ge [sflag:s30], $0x4000  }
0xeb: {  	[sflag:s30] =	ssyncset.done $0x0  }
0xec: {  	[sflag:s30] =	ssyncadd.s32 $0xFFFFC000  }
0xed: {  	v3 =	vld [tilespmem:$0xC0];
	_ =	sdelay $0x4  }
0xee: {  	v60 =	vshll.u32 v3, $0x2  }
0xef: {  	v3 =	vand.u32 $0x7, v3;
	v4 =	vand.u32 $0xFFFFFFE0, v60  }
0xf0: {  	v3 =	vor.u32 v3, v4  }
0xf1: {  	v4 =	vperm.xlane v3, v0;
	_ =	sdelay $0x1  }
0xf2: {  	v4 =	vadd.s32 v1, v4;
	_ =	sdelay $0x1  }
0xf3: {  	v3 =	vperm.xlane v3, v2;
	_ =	sdelay $0x1  }
0xf4: {  	v3 =	vadd.s32 v1, v3  }
0xf5: {  	[tilespmem:s8], [sflag:$0x1] =	stream.indirect_vreg.gather [hbm4b:s4+s2], $0x80, v4, vm0, $0xb8;
	[tilespmem:$0x18100] =	vst v63  }
0xf6: {  	_ = 	snop  }
0xf7: {  	[tilespmem:s19], [sflag:$0x1] =	stream.indirect_vreg.gather [hbm4b:s5+s2], $0x80, v4, vm0, $0xb8;
	[tilespmem:$0x18100] =	vst v63  }
0xf8: {  	_ = 	snop  }
0xf9: {  	[tilespmem:s20], [sflag:$0x1] =	stream.indirect_vreg.gather [hbm4b:s4+s2], $0x80, v3, vm0, $0xb8;
	[tilespmem:$0x18100] =	vst v63  }
0xfa: {  	_ = 	snop  }
0xfb: {  	[tilespmem:s3], [sflag:$0x1] =	stream.indirect_vreg.gather [hbm4b:s5+s2], $0x80, v3, vm0, $0xb8;
	[tilespmem:$0x18100] =	vst v63  }
0xfc: {  	v3 =	vld [tilespmem:$0xD0];
	_ =	sdelay $0x4  }
0xfd: {  	v61 =	vshll.u32 v3, $0x2  }
0xfe: {  	v3 =	vand.u32 $0x7, v3;
	v4 =	vand.u32 $0xFFFFFFE0, v61  }
0xff: {  	v3 =	vor.u32 v3, v4  }
0x100: {  	v4 =	vperm.xlane v3, v0;
	_ =	sdelay $0x1  }
0x101: {  	v4 =	vadd.s32 v1, v4;
	_ =	sdelay $0x1  }
0x102: {  	v3 =	vperm.xlane v3, v2;
	_ =	sdelay $0x1  }
0x103: {  	v3 =	vadd.s32 v1, v3  }
0x104: {  	[tilespmem:s21], [sflag:$0x1] =	stream.indirect_vreg.gather [hbm4b:s4+s2], $0x80, v4, vm0, $0xb8;
	[tilespmem:$0x18100] =	vst v63  }
0x105: {  	_ = 	snop  }
0x106: {  	[tilespmem:s22], [sflag:$0x1] =	stream.indirect_vreg.gather [hbm4b:s5+s2], $0x80, v4, vm0, $0xb8;
	[tilespmem:$0x18100] =	vst v63  }
0x107: {  	_ = 	snop  }
0x108: {  	[tilespmem:s23], [sflag:$0x1] =	stream.indirect_vreg.gather [hbm4b:s4+s2], $0x80, v3, vm0, $0xb8;
	[tilespmem:$0x18100] =	vst v63  }
0x109: {  	_ = 	snop  }
0x10a: {  	[tilespmem:s24], [sflag:$0x1] =	stream.indirect_vreg.gather [hbm4b:s5+s2], $0x80, v3, vm0, $0xb8;
	[tilespmem:$0x18100] =	vst v63  }
0x10b: {  	_ =	swait.ge [sflag:s31], $0x4000  }
0x10c: {  	[sflag:s31] =	ssyncset.done $0x0  }
0x10d: {  	s3 =	rddreg [dreg:$0x4];
	[sflag:s31] =	ssyncadd.s32 $0xFFFFC000  }
0x10e: {  	[hbm4b:s3+s2] =	stream.linear.scatter [tilespmem:s16], [sflag:$0x8], $0x4000, $0x38;
	[tilespmem:$0x18100] =	vst v63  }
0x10f: {  	_ =	swait.ge [sflag:s1], $0x4000  }
0x110: {  	[sflag:s1] =	ssyncset.done $0x0  }
0x111: {  	[sflag:s1] =	ssyncadd.s32 $0xFFFFC000  }
0x112: {  	v3 =	vld [tilespmem:$0xE0];
	_ =	sdelay $0x4  }
0x113: {  	v62 =	vshll.u32 v3, $0x2  }
0x114: {  	v3 =	vand.u32 $0x7, v3;
	v4 =	vand.u32 $0xFFFFFFE0, v62  }
0x115: {  	v3 =	vor.u32 v3, v4  }
0x116: {  	v4 =	vperm.xlane v3, v0;
	_ =	sdelay $0x1  }
0x117: {  	v4 =	vadd.s32 v1, v4;
	_ =	sdelay $0x1  }
0x118: {  	v3 =	vperm.xlane v3, v2;
	_ =	sdelay $0x1  }
0x119: {  	v3 =	vadd.s32 v1, v3  }
0x11a: {  	[tilespmem:s16], [sflag:$0x2] =	stream.indirect_vreg.gather [hbm4b:s4+s2], $0x80, v4, vm0, $0xb8;
	[tilespmem:$0x18100] =	vst v63  }
0x11b: {  	_ = 	snop  }
0x11c: {  	[tilespmem:s25], [sflag:$0x2] =	stream.indirect_vreg.gather [hbm4b:s5+s2], $0x80, v4, vm0, $0xb8;
	[tilespmem:$0x18100] =	vst v63  }
0x11d: {  	_ = 	snop  }
0x11e: {  	[tilespmem:s26], [sflag:$0x2] =	stream.indirect_vreg.gather [hbm4b:s4+s2], $0x80, v3, vm0, $0xb8;
	[tilespmem:$0x18100] =	vst v63  }
0x11f: {  	_ = 	snop  }
0x120: {  	[tilespmem:s28], [sflag:$0x2] =	stream.indirect_vreg.gather [hbm4b:s5+s2], $0x80, v3, vm0, $0xb8;
	[tilespmem:$0x18100] =	vst v63  }
0x121: {  	v3 =	vld [tilespmem:$0xF0];
	_ =	sdelay $0x4  }
0x122: {  	v63 =	vshll.u32 v3, $0x2  }
0x123: {  	v3 =	vand.u32 $0x7, v3;
	v4 =	vand.u32 $0xFFFFFFE0, v63  }
0x124: {  	v3 =	vor.u32 v3, v4  }
0x125: {  	v4 =	vperm.xlane v3, v0;
	_ =	sdelay $0x1  }
0x126: {  	v4 =	vadd.s32 v1, v4;
	_ =	sdelay $0x1  }
0x127: {  	v3 =	vperm.xlane v3, v2;
	_ =	sdelay $0x1  }
0x128: {  	v3 =	vadd.s32 v1, v3  }
0x129: {  	[tilespmem:s7], [sflag:$0x2] =	stream.indirect_vreg.gather [hbm4b:s4+s2], $0x80, v4, vm0, $0xb8;
	[tilespmem:$0x18100] =	vst v63  }
0x12a: {  	_ = 	snop  }
0x12b: {  	[tilespmem:s0], [sflag:$0x2] =	stream.indirect_vreg.gather [hbm4b:s5+s2], $0x80, v4, vm0, $0xb8;
	[tilespmem:$0x18100] =	vst v63  }
0x12c: {  	_ = 	snop  }
0x12d: {  	[tilespmem:s9], [sflag:$0x2] =	stream.indirect_vreg.gather [hbm4b:s4+s2], $0x80, v3, vm0, $0xb8;
	[tilespmem:$0x18100] =	vst v63  }
0x12e: {  	s18 =	simm.s32 $0x3  }
0x12f: {  	[tilespmem:s10], [sflag:$0x2] =	stream.indirect_vreg.gather [hbm4b:s5+s2], $0x80, v3, vm0, $0xb8;
	[tilespmem:$0x18100] =	vst v63  }
0x130: {  	_ =	swait.ge [sflag:s18], $0x4000  }
0x131: {  	[sflag:s18] =	ssyncset.done $0x0  }
0x132: {  	s3 =	rddreg [dreg:$0x5];
	[sflag:s18] =	ssyncadd.s32 $0xFFFFC000;
	s18 =	simm.s32 $0x4  }
0x133: {  	[hbm4b:s3+s2] =	stream.linear.scatter [tilespmem:s11], [sflag:$0x9], $0x4000, $0x38;
	[tilespmem:$0x18100] =	vst v63  }
0x134: {  	_ =	swait.ge [sflag:s18], $0x4000  }
0x135: {  	[sflag:s18] =	ssyncset.done $0x0  }
0x136: {  	s3 =	rddreg [dreg:$0x6];
	[sflag:s18] =	ssyncadd.s32 $0xFFFFC000;
	s18 =	simm.s32 $0x5  }
0x137: {  	[hbm4b:s3+s2] =	stream.linear.scatter [tilespmem:s12], [sflag:$0xA], $0x4000, $0x38;
	[tilespmem:$0x18100] =	vst v63  }
0x138: {  	_ =	swait.ge [sflag:s18], $0x4000  }
0x139: {  	[sflag:s18] =	ssyncset.done $0x0  }
0x13a: {  	s3 =	rddreg [dreg:$0x7];
	[sflag:s18] =	ssyncadd.s32 $0xFFFFC000;
	s18 =	simm.s32 $0x6  }
0x13b: {  	[hbm4b:s3+s2] =	stream.linear.scatter [tilespmem:s13], [sflag:$0xB], $0x4000, $0x38;
	[tilespmem:$0x18100] =	vst v63  }
0x13c: {  	_ =	swait.ge [sflag:s18], $0x4000  }
0x13d: {  	[sflag:s18] =	ssyncset.done $0x0  }
0x13e: {  	s3 =	rddreg [dreg:$0x8];
	[sflag:s18] =	ssyncadd.s32 $0xFFFFC000  }
0x13f: {  	[hbm4b:s3+s2] =	stream.linear.scatter [tilespmem:s14], [sflag:$0xC], $0x4000, $0x38;
	[tilespmem:$0x18100] =	vst v63  }
0x140: {  	_ =	swait.ge [sflag:s29], $0x4000  }
0x141: {  	[sflag:s29] =	ssyncset.done $0x0  }
0x142: {  	s18 =	rddreg [dreg:$0x9];
	[sflag:s29] =	ssyncadd.s32 $0xFFFFC000  }
0x143: {  	[hbm4b:s18+s2] =	stream.linear.scatter [tilespmem:s8], [sflag:$0x7], $0x4000, $0x38;
	[tilespmem:$0x18100] =	vst v63  }
0x144: {  	_ =	swait.ge [sflag:s31], $0x4000  }
0x145: {  	[sflag:s31] =	ssyncset.done $0x0  }
0x146: {  	s3 =	simm.s32 $0x9;
	s0 =	rddreg [dreg:$0xa];
	[sflag:s31] =	ssyncadd.s32 $0xFFFFC000  }
0x147: {  	[hbm4b:s0+s2] =	stream.linear.scatter [tilespmem:s16], [sflag:$0x8], $0x4000, $0x38;
	[tilespmem:$0x18100] =	vst v63  }
0x148: {  	_ =	swait.ge [sflag:s3], $0x4000  }
0x149: {  	[sflag:s3] =	ssyncset.done $0x0  }
0x14a: {  	s17 =	simm.s32 $0xA;
	[sflag:s3] =	ssyncadd.s32 $0xFFFFC000  }
0x14b: {  	_ =	swait.ge [sflag:s17], $0x4000  }
0x14c: {  	[sflag:s17] =	ssyncset.done $0x0  }
0x14d: {  	s18 =	simm.s32 $0xB;
	[sflag:s17] =	ssyncadd.s32 $0xFFFFC000  }
0x14e: {  	_ =	swait.ge [sflag:s18], $0x4000  }
0x14f: {  	[sflag:s18] =	ssyncset.done $0x0  }
0x150: {  	[sflag:s18] =	ssyncadd.s32 $0xFFFFC000  }
0x151: {  	_ =	swait.ge [sflag:s15], $0x4000  }
0x152: {  	[sflag:s15] =	ssyncset.done $0x0  }
0x153: {  	[sflag:s15] =	ssyncadd.s32 $0xFFFFC000  }
0x154: {  	p0 =	sne.s32 s6, $0x1;
	_ =	swait.ge [sflag:s30], $0x4000  }
.Ltmp0:
0x155: {  	[sflag:s30] =	ssyncset.done $0x0;
	(pc) =	sbr.rel @p0 .LBB2_1-.Ltmp0, $4  }
0x156: {  	[sflag:s30] =	ssyncadd.s32 $0xFFFFC000  }
0x157: {  	_ =	swait.ge [sflag:s1], $0x4000  }
0x158: {  	[sflag:s1] =	ssyncset.done $0x0  }
0x159: {  	s6 =	sadd.s32 $0xFFFFFFFF, s6;
	[sflag:s1] =	ssyncadd.s32 $0xFFFFC000  }
0x15a: {  	_ =	sfence.sel $0x180000  }
0x15b: {  	[bflag:$0x0] =	sbarrier.arrive $0xFFFF  }
0x15c: {  	_ =	strace $0x90000047  }
0x15d: {  	s0 =	stileid.u32;
	[bflag:$0x2] =	sbarrier.arrive $0xFFFF  }
0x15e: {  	p0 =	sne.s32 s0, $0x0;
	s0 =	rddreg [dreg:$0x2]  }
0x15f: {  	s0 =	sadd.s32 @!p0 $0x100000, s0  }
0x160: {  	[sflag:s0] =	ssyncadd.tile.s32 @!p0 $0x1;
	_ =	shalt  }
.Lfunc_end2:
_tile_overlayer_lowered:
.L_overlay_start_2:
0x161: {  	(tag) =	ssettag $0x2  }
0x162: {  	s0 =	rddreg [dreg:$0x0];
	s2 =	stileid.u32  }
0x163: {  	s1 =	rddreg [dreg:$0x1];
	p0 =	sne.s32 s2, $0x0  }
0x164: {  	s3 =	rddreg [dreg:$0x2];
	[bflag:$0x3] =	sbarrier.arrive $0xFFFF;
	s2 =	simm.s32 @!p0 $0x1C0D  }
0x165: {  	[timem:s3], [sflag:s2] =	dma.local @!p0 [hbm:s0], s1  }
0x166: {  	s0 =	simm.s32 @!p0 $0xD  }
0x167: {  	_ =	swait.ge @!p0 [sflag:s0], s1  }
0x168: {  	s1 =	ssub.s32 @!p0 $0x0, s1;
	[sflag:s0] =	ssyncset.done @!p0 $0x0  }
0x169: {  	[sflag:s0] =	ssyncadd.s32 @!p0 s1  }
0x16a: {  	[bflag:$0x3] =	sbarrier.arrive $0xFFFF  }
0x16b: {  	_ =	shalt  }

</sc_bundles>
